<compile_context>
chip_gen: v7x
topology: tpu7x:2x2x1
jax: 0.10.2.dev20260603
libtpu: 0.0.44.dev20260713+nightly
codegen_flags: <defaults>
</compile_context>

<pallas_src>
import functools

import jax
import jax.numpy as jnp
from jax import lax
from jax.experimental import pallas as pl
from jax.experimental.pallas import tpu as pltpu
from jax.experimental.pallas import tpu_sc as plsc

D = 128
N_TO = 10000
LANES = 64
NBUF = 4
NC, NS = 2, 16
NW = NC * NS
ACC_ROWS = 10240
ZROWS = ACC_ROWS // NS


def _sc_partials(x, edges, n_chunks):
    mesh = plsc.VectorSubcoreMesh(core_axis_name="c", subcore_axis_name="s")

    nfull = n_chunks // NW
    nrem = n_chunks - nfull * NW
    h0 = nfull // 2
    h0 += (-h0) % 4
    h1 = nfull - h0
    hbuf = max(h0, 2)

    @functools.partial(
        pl.kernel,
        out_type=jax.ShapeDtypeStruct((NC, ACC_ROWS, D), jnp.float32),
        mesh=mesh,
        scratch_types=[
            pltpu.VMEM((2, hbuf * LANES), jnp.int32),
            [pltpu.VMEM((LANES, D), jnp.float32)] * NBUF,
            pltpu.VMEM_SHARED((ACC_ROWS, D), jnp.float32),
            [pltpu.SemaphoreType.DMA] * NBUF,
            [pltpu.SemaphoreType.DMA] * NBUF,
            pltpu.SemaphoreType.DMA,
            pltpu.SemaphoreType.DMA,
        ],
    )
    def k(x_hbm, e_hbm, outp_hbm, idx_v, rows, acc_sh, gsem, ssem, zsem,
          isem):
        c = lax.axis_index("c")
        s = lax.axis_index("s")
        w = c * NS + s
        base_e = w * (nfull * LANES)

        ne0 = h0 * LANES
        icopy = pltpu.async_copy(
            e_hbm.at[:, pl.ds(base_e, ne0)],
            idx_v.at[:, pl.ds(0, ne0)], isem)

        zv = jnp.zeros((16,), jnp.float32)
        zbuf = rows[NBUF - 1]

        @pl.loop(0, LANES)
        def _zrow(i):
            for kk in range(D // 16):
                zbuf[i, pl.ds(kk * 16, 16)] = zv

        nz = ZROWS // LANES
        for zi in range(nz):
            pltpu.async_copy(
                zbuf, acc_sh.at[pl.ds(s * ZROWS + zi * LANES, LANES)],
                zsem)

        def g_start(j, b):
            pltpu.async_copy(
                x_hbm.at[idx_v.at[0, pl.ds(j * LANES, LANES)]],
                rows[b], gsem[b])

        def g_wait(b):
            pltpu.make_async_copy(
                x_hbm.at[idx_v.at[0, pl.ds(0, LANES)]],
                rows[b], gsem[b]).wait()

        def s_start(j, b):
            pltpu.async_copy(
                rows[b], acc_sh.at[idx_v.at[1, pl.ds(j * LANES, LANES)]],
                ssem[b], add=True)

        def s_wait(b):
            pltpu.make_async_copy(
                rows[b], acc_sh.at[idx_v.at[1, pl.ds(0, LANES)]],
                ssem[b]).wait()

        first = True
        for off, h in ((0, h0), (h0, h1)):
            if first:
                first = False
                icopy.wait()
                g_start(0, 0)
                g_start(1, 1)
                g_start(2, 2)
                for zi in range(nz):
                    pltpu.make_async_copy(
                        zbuf, acc_sh.at[pl.ds(s * ZROWS, LANES)],
                        zsem).wait()
                plsc.subcore_barrier()
            else:
                ne = h * LANES
                pltpu.sync_copy(
                    e_hbm.at[:, pl.ds(base_e + off * LANES, ne)],
                    idx_v.at[:, pl.ds(0, ne)])
                g_start(0, 0)
                g_start(1, 1)
                g_start(2, 2)

            g_wait(0)
            g_start(3, 3)
            s_start(0, 0)
            g_wait(1)
            s_wait(0)
            g_start(4, 0)
            s_start(1, 1)
            g_wait(2)
            s_wait(1)
            g_start(5, 1)
            s_start(2, 2)
            g_wait(3)
            s_wait(2)
            g_start(6, 2)
            s_start(3, 3)

            @pl.loop(4, h - 4, step=4)
            def _pipeline(j):
                for u in range(4):
                    b = u
                    g_wait(b)
                    s_wait((b + 3) % 4)
                    g_start(j + u + 3, (b + 3) % 4)
                    s_start(j + u, b)

            g_wait(0)
            s_wait(3)
            g_start(h - 1, 3)
            s_start(h - 4, 0)
            for u in (1, 2, 3):
                g_wait(u)
                s_wait(u - 1)
                s_start(h - 4 + u, u)
            s_wait(3)

        if nrem:
            npair = nrem // 2
            r = s * NC + c

            @pl.when(r < npair)
            def _rem():
                rbase = (n_chunks - nrem) * LANES + r * (2 * LANES)
                pltpu.sync_copy(e_hbm.at[:, pl.ds(rbase, 2 * LANES)],
                                idx_v.at[:, pl.ds(0, 2 * LANES)])
                g_start(0, 0)
                g_start(1, 1)
                g_wait(0)
                s_start(0, 0)
                g_wait(1)
                s_start(1, 1)
                s_wait(0)
                s_wait(1)

        plsc.subcore_barrier()

        pltpu.sync_copy(
            acc_sh.at[pl.ds(s * ZROWS, ZROWS)],
            outp_hbm.at[c, pl.ds(s * ZROWS, ZROWS)],
        )

    return k(x, edges)


def _combine_body(a_ref, b_ref, o_ref):
    o_ref[...] = a_ref[0] + b_ref[0]


def kernel(x, edge_index, num_nodes_to):
    del num_nodes_to
    e = edge_index.shape[1]
    edges = edge_index.astype(jnp.int32)

    if e % (2 * LANES):
        npad = (2 * LANES) - e % (2 * LANES)
        pad_ar = jnp.arange(npad, dtype=jnp.int32)
        pad = jnp.stack([pad_ar % x.shape[0],
                         N_TO + pad_ar % (ACC_ROWS - N_TO)])
        edges = jnp.concatenate([edges, pad], axis=1)
    n_chunks = edges.shape[1] // LANES

    partials = _sc_partials(x, edges, n_chunks)

    rows_per_blk = 2000
    out = pl.pallas_call(
        _combine_body,
        out_shape=jax.ShapeDtypeStruct((N_TO, D), jnp.float32),
        grid=(N_TO // rows_per_blk,),
        in_specs=[
            pl.BlockSpec((1, rows_per_blk, D), lambda i: (0, i, 0)),
            pl.BlockSpec((1, rows_per_blk, D), lambda i: (1, i, 0)),
        ],
        out_specs=pl.BlockSpec((rows_per_blk, D), lambda i: (i, 0)),
    )(partials, partials)
    return out

# --- scband reference (transcript-rebuilt; emitter-appended) ---
"""Pipeline reference for scband-pool-83811991814300 (READ-ONLY COPY).

The authoritative reference and input builder live on the scoring server;
editing this copy changes nothing except your own understanding.
"""

import jax, jax.numpy as jnp
import numpy as np

N_FROM = 10000
N_TO = 10000
E = 320000
D = 128

def setup_inputs(seed: int = 0) -> dict:
    key = jax.random.key(seed)
    k1, k2 = jax.random.split(key)
    x = jax.random.normal(k1, (N_FROM, D), dtype=jnp.float32)
    edge_index = jax.random.randint(k2, (2, E), 0, N_FROM, dtype=jnp.int64)
    return {"x": x, "edge_index": edge_index, "num_nodes_to": N_TO}

def reference(x, edge_index, num_nodes_to):
    # DGL pool: hsg.update_all(fn.copy_u('pool_feat','m'), fn.sum('m','pool_feat'))
    # i.e. for each edge (u -> v) in the pool edge type, message = x[u];
    # destination feature = sum of incoming messages (zeros if no in-edges).
    src = edge_index[0]
    dst = edge_index[1]
    num_nodes_to = jnp.asarray(num_nodes_to)
    dst = dst + (num_nodes_to - num_nodes_to).astype(dst.dtype)
    msgs = jnp.take(x, src, axis=0)            # gather: copy_u
    out = jax.ops.segment_sum(msgs, dst, num_segments=N_TO)  # scatter-add: fn.sum
    return out

if __name__ == "__main__":
    import jax
    _d = setup_inputs()
    print(jax.jit(kernel)(*tuple(_d.values())))

</pallas_src>

<mosaic_0001>
#map = affine_map<(d0, d1) -> (0, 0)>
#map1 = affine_map<(d0, d1) -> (0, 0, 0)>
module attributes {stable_mosaic.version = 14 : i64} {
  func.func @k(%arg0: i32, %arg1: i32, %arg2: memref<10000x128xf32, #tpu.memory_space<hbm>>, %arg3: memref<2x320000xi32, #tpu.memory_space<hbm>>, %arg4: memref<2x10240x128xf32, #tpu.memory_space<hbm>>, %arg5: memref<2x5120xi32, #tpu.memory_space<vmem>>, %arg6: memref<64x128xf32, #tpu.memory_space<vmem>>, %arg7: memref<64x128xf32, #tpu.memory_space<vmem>>, %arg8: memref<64x128xf32, #tpu.memory_space<vmem>>, %arg9: memref<64x128xf32, #tpu.memory_space<vmem>>, %arg10: memref<10240x128xf32, #tpu.memory_space<vmem_shared>>, %arg11: memref<!tpu.dma_semaphore, #tpu.memory_space<semaphore_mem>>, %arg12: memref<!tpu.dma_semaphore, #tpu.memory_space<semaphore_mem>>, %arg13: memref<!tpu.dma_semaphore, #tpu.memory_space<semaphore_mem>>, %arg14: memref<!tpu.dma_semaphore, #tpu.memory_space<semaphore_mem>>, %arg15: memref<!tpu.dma_semaphore, #tpu.memory_space<semaphore_mem>>, %arg16: memref<!tpu.dma_semaphore, #tpu.memory_space<semaphore_mem>>, %arg17: memref<!tpu.dma_semaphore, #tpu.memory_space<semaphore_mem>>, %arg18: memref<!tpu.dma_semaphore, #tpu.memory_space<semaphore_mem>>, %arg19: memref<!tpu.dma_semaphore, #tpu.memory_space<semaphore_mem>>, %arg20: memref<!tpu.dma_semaphore, #tpu.memory_space<semaphore_mem>>) attributes {dimension_semantics = [#tpu.dimension_semantics<core_parallel>, #tpu.dimension_semantics<subcore_parallel>], iteration_bounds = array<i64: 2, 16>, scalar_prefetch = 0 : i64, scratch_operands = 16 : i64, tpu.core_type = #tpu.core_type<sc_vector_subcore>, window_params = [{transform_indices = #map}, {transform_indices = #map}, {transform_indices = #map1}]} {
    %mul3A = arith.constant 16 : i32
    %mul3A_0 = arith.muli %arg0, %mul3A : i32
    %add3A = arith.addi %mul3A_0, %arg1 : i32
    %mul3A_1 = arith.constant 9984 : i32
    %mul3A_2 = arith.muli %add3A, %mul3A_1 : i32
    %dma_start3A = arith.constant 0 : i32
    %dma_start3A_3 = arith.constant 0 : i32
    %dma_start3A_4 = tpu.memref_slice %arg5[%dma_start3A, %dma_start3A_3] : memref<2x5120xi32, #tpu.memory_space<vmem>> -> memref<2x5120xi32, #tpu.memory_space<vmem>>
    %dma_start3A_5 = arith.constant 0 : i32
    %dma_start3A_6 = tpu.memref_slice %arg3[%dma_start3A_5, %mul3A_2] : memref<2x320000xi32, #tpu.memory_space<hbm>> -> memref<2x5120xi32, #tpu.memory_space<hbm>>
    %dma_start3A_7 = arith.constant 0 : i32
    %dma_start3A_8 = arith.constant 0 : i32
    %dma_start3A_9 = tpu.memref_slice %arg5[%dma_start3A_7, %dma_start3A_8] : memref<2x5120xi32, #tpu.memory_space<vmem>> -> memref<2x5120xi32, #tpu.memory_space<vmem>>
    %dma_start3A_10 = arith.constant 0 : i32
    %dma_start3A_11 = tpu.memref_slice %arg3[%dma_start3A_10, %mul3A_2] : memref<2x320000xi32, #tpu.memory_space<hbm>> -> memref<2x5120xi32, #tpu.memory_space<hbm>>
    tpu.enqueue_dma source(%dma_start3A_11 : memref<2x5120xi32, #tpu.memory_space<hbm>>) target(%dma_start3A_9 : memref<2x5120xi32, #tpu.memory_space<vmem>>) target_semaphore(%arg20 : memref<!tpu.dma_semaphore, #tpu.memory_space<semaphore_mem>>)
    %broadcast_in_dim3A = arith.constant 0.000000e+00 : f32
    %broadcast_in_dim3A_12 = vector.broadcast %broadcast_in_dim3A : f32 to vector<16xf32>
    %scan3A = arith.constant 0 : i32
    %scan3A_13 = arith.constant 64 : i32
    %scan3A_14 = arith.addi %scan3A, %scan3A_13 : i32
    %scan3A_15 = arith.constant 1 : i32
    scf.for %scan3A_636 = %scan3A to %scan3A_14 step %scan3A_15  : i32 {
      %mul3A_637 = arith.constant 1 : i32
      %mul3A_638 = arith.muli %scan3A_636, %mul3A_637 : i32
      %add3A_639 = arith.constant 0 : i32
      %add3A_640 = arith.addi %add3A_639, %mul3A_638 : i32
      %swap3A = arith.index_cast %add3A_640 : i32 to index
      %swap3A_641 = arith.constant 0 : index
      %swap3A_642 = tpu.vector_load %arg9[%swap3A, %swap3A_641] {strides = array<i32>} : memref<64x128xf32, #tpu.memory_space<vmem>>, vector<1x16xf32>,
      %swap3A_643 = vector.shape_cast %swap3A_642 : vector<1x16xf32> to vector<16xf32>
      %swap3A_644 = vector.shape_cast %broadcast_in_dim3A_12 : vector<16xf32> to vector<1x16xf32>
      tpu.vector_store %arg9[%swap3A, %swap3A_641], %swap3A_644 {strides = array<i32>} : memref<64x128xf32, #tpu.memory_space<vmem>>, vector<1x16xf32>,
      %swap3A_645 = arith.index_cast %add3A_640 : i32 to index
      %swap3A_646 = arith.constant 16 : index
      %swap3A_647 = tpu.vector_load %arg9[%swap3A_645, %swap3A_646] {strides = array<i32>} : memref<64x128xf32, #tpu.memory_space<vmem>>, vector<1x16xf32>,
      %swap3A_648 = vector.shape_cast %swap3A_647 : vector<1x16xf32> to vector<16xf32>
      %swap3A_649 = vector.shape_cast %broadcast_in_dim3A_12 : vector<16xf32> to vector<1x16xf32>
      tpu.vector_store %arg9[%swap3A_645, %swap3A_646], %swap3A_649 {strides = array<i32>} : memref<64x128xf32, #tpu.memory_space<vmem>>, vector<1x16xf32>,
      %swap3A_650 = arith.index_cast %add3A_640 : i32 to index
      %swap3A_651 = arith.constant 32 : index
      %swap3A_652 = tpu.vector_load %arg9[%swap3A_650, %swap3A_651] {strides = array<i32>} : memref<64x128xf32, #tpu.memory_space<vmem>>, vector<1x16xf32>,
      %swap3A_653 = vector.shape_cast %swap3A_652 : vector<1x16xf32> to vector<16xf32>
      %swap3A_654 = vector.shape_cast %broadcast_in_dim3A_12 : vector<16xf32> to vector<1x16xf32>
      tpu.vector_store %arg9[%swap3A_650, %swap3A_651], %swap3A_654 {strides = array<i32>} : memref<64x128xf32, #tpu.memory_space<vmem>>, vector<1x16xf32>,
      %swap3A_655 = arith.index_cast %add3A_640 : i32 to index
      %swap3A_656 = arith.constant 48 : index
      %swap3A_657 = tpu.vector_load %arg9[%swap3A_655, %swap3A_656] {strides = array<i32>} : memref<64x128xf32, #tpu.memory_space<vmem>>, vector<1x16xf32>,
      %swap3A_658 = vector.shape_cast %swap3A_657 : vector<1x16xf32> to vector<16xf32>
      %swap3A_659 = vector.shape_cast %broadcast_in_dim3A_12 : vector<16xf32> to vector<1x16xf32>
      tpu.vector_store %arg9[%swap3A_655, %swap3A_656], %swap3A_659 {strides = array<i32>} : memref<64x128xf32, #tpu.memory_space<vmem>>, vector<1x16xf32>,
      %swap3A_660 = arith.index_cast %add3A_640 : i32 to index
      %swap3A_661 = arith.constant 64 : index
      %swap3A_662 = tpu.vector_load %arg9[%swap3A_660, %swap3A_661] {strides = array<i32>} : memref<64x128xf32, #tpu.memory_space<vmem>>, vector<1x16xf32>,
      %swap3A_663 = vector.shape_cast %swap3A_662 : vector<1x16xf32> to vector<16xf32>
      %swap3A_664 = vector.shape_cast %broadcast_in_dim3A_12 : vector<16xf32> to vector<1x16xf32>
      tpu.vector_store %arg9[%swap3A_660, %swap3A_661], %swap3A_664 {strides = array<i32>} : memref<64x128xf32, #tpu.memory_space<vmem>>, vector<1x16xf32>,
      %swap3A_665 = arith.index_cast %add3A_640 : i32 to index
      %swap3A_666 = arith.constant 80 : index
      %swap3A_667 = tpu.vector_load %arg9[%swap3A_665, %swap3A_666] {strides = array<i32>} : memref<64x128xf32, #tpu.memory_space<vmem>>, vector<1x16xf32>,
      %swap3A_668 = vector.shape_cast %swap3A_667 : vector<1x16xf32> to vector<16xf32>
      %swap3A_669 = vector.shape_cast %broadcast_in_dim3A_12 : vector<16xf32> to vector<1x16xf32>
      tpu.vector_store %arg9[%swap3A_665, %swap3A_666], %swap3A_669 {strides = array<i32>} : memref<64x128xf32, #tpu.memory_space<vmem>>, vector<1x16xf32>,
      %swap3A_670 = arith.index_cast %add3A_640 : i32 to index
      %swap3A_671 = arith.constant 96 : index
      %swap3A_672 = tpu.vector_load %arg9[%swap3A_670, %swap3A_671] {strides = array<i32>} : memref<64x128xf32, #tpu.memory_space<vmem>>, vector<1x16xf32>,
      %swap3A_673 = vector.shape_cast %swap3A_672 : vector<1x16xf32> to vector<16xf32>
      %swap3A_674 = vector.shape_cast %broadcast_in_dim3A_12 : vector<16xf32> to vector<1x16xf32>
      tpu.vector_store %arg9[%swap3A_670, %swap3A_671], %swap3A_674 {strides = array<i32>} : memref<64x128xf32, #tpu.memory_space<vmem>>, vector<1x16xf32>,
      %swap3A_675 = arith.index_cast %add3A_640 : i32 to index
      %swap3A_676 = arith.constant 112 : index
      %swap3A_677 = tpu.vector_load %arg9[%swap3A_675, %swap3A_676] {strides = array<i32>} : memref<64x128xf32, #tpu.memory_space<vmem>>, vector<1x16xf32>,
      %swap3A_678 = vector.shape_cast %swap3A_677 : vector<1x16xf32> to vector<16xf32>
      %swap3A_679 = vector.shape_cast %broadcast_in_dim3A_12 : vector<16xf32> to vector<1x16xf32>
      tpu.vector_store %arg9[%swap3A_675, %swap3A_676], %swap3A_679 {strides = array<i32>} : memref<64x128xf32, #tpu.memory_space<vmem>>, vector<1x16xf32>,
    }
    %scan3A_16 = arith.constant 64 : i32
    %mul3A_17 = arith.constant 640 : i32
    %mul3A_18 = arith.muli %arg1, %mul3A_17 : i32
    %add3A_19 = arith.constant 0 : i32
    %add3A_20 = arith.addi %mul3A_18, %add3A_19 : i32
    %dma_start3A_21 = arith.constant 0 : i32
    %dma_start3A_22 = tpu.memref_slice %arg10[%add3A_20, %dma_start3A_21] : memref<10240x128xf32, #tpu.memory_space<vmem_shared>> -> memref<64x128xf32, #tpu.memory_space<vmem_shared>>
    %dma_start3A_23 = arith.constant 0 : i32
    %dma_start3A_24 = tpu.memref_slice %arg10[%add3A_20, %dma_start3A_23] : memref<10240x128xf32, #tpu.memory_space<vmem_shared>> -> memref<64x128xf32, #tpu.memory_space<vmem_shared>>
    tpu.enqueue_dma source(%arg9 : memref<64x128xf32, #tpu.memory_space<vmem>>) target(%dma_start3A_24 : memref<64x128xf32, #tpu.memory_space<vmem_shared>>) target_semaphore(%arg19 : memref<!tpu.dma_semaphore, #tpu.memory_space<semaphore_mem>>)
    %mul3A_25 = arith.constant 640 : i32
    %mul3A_26 = arith.muli %arg1, %mul3A_25 : i32
    %add3A_27 = arith.constant 64 : i32
    %add3A_28 = arith.addi %mul3A_26, %add3A_27 : i32
    %dma_start3A_29 = arith.constant 0 : i32
    %dma_start3A_30 = tpu.memref_slice %arg10[%add3A_28, %dma_start3A_29] : memref<10240x128xf32, #tpu.memory_space<vmem_shared>> -> memref<64x128xf32, #tpu.memory_space<vmem_shared>>
    %dma_start3A_31 = arith.constant 0 : i32
    %dma_start3A_32 = tpu.memref_slice %arg10[%add3A_28, %dma_start3A_31] : memref<10240x128xf32, #tpu.memory_space<vmem_shared>> -> memref<64x128xf32, #tpu.memory_space<vmem_shared>>
    tpu.enqueue_dma source(%arg9 : memref<64x128xf32, #tpu.memory_space<vmem>>) target(%dma_start3A_32 : memref<64x128xf32, #tpu.memory_space<vmem_shared>>) target_semaphore(%arg19 : memref<!tpu.dma_semaphore, #tpu.memory_space<semaphore_mem>>)
    %mul3A_33 = arith.constant 640 : i32
    %mul3A_34 = arith.muli %arg1, %mul3A_33 : i32
    %add3A_35 = arith.constant 128 : i32
    %add3A_36 = arith.addi %mul3A_34, %add3A_35 : i32
    %dma_start3A_37 = arith.constant 0 : i32
    %dma_start3A_38 = tpu.memref_slice %arg10[%add3A_36, %dma_start3A_37] : memref<10240x128xf32, #tpu.memory_space<vmem_shared>> -> memref<64x128xf32, #tpu.memory_space<vmem_shared>>
    %dma_start3A_39 = arith.constant 0 : i32
    %dma_start3A_40 = tpu.memref_slice %arg10[%add3A_36, %dma_start3A_39] : memref<10240x128xf32, #tpu.memory_space<vmem_shared>> -> memref<64x128xf32, #tpu.memory_space<vmem_shared>>
    tpu.enqueue_dma source(%arg9 : memref<64x128xf32, #tpu.memory_space<vmem>>) target(%dma_start3A_40 : memref<64x128xf32, #tpu.memory_space<vmem_shared>>) target_semaphore(%arg19 : memref<!tpu.dma_semaphore, #tpu.memory_space<semaphore_mem>>)
    %mul3A_41 = arith.constant 640 : i32
    %mul3A_42 = arith.muli %arg1, %mul3A_41 : i32
    %add3A_43 = arith.constant 192 : i32
    %add3A_44 = arith.addi %mul3A_42, %add3A_43 : i32
    %dma_start3A_45 = arith.constant 0 : i32
    %dma_start3A_46 = tpu.memref_slice %arg10[%add3A_44, %dma_start3A_45] : memref<10240x128xf32, #tpu.memory_space<vmem_shared>> -> memref<64x128xf32, #tpu.memory_space<vmem_shared>>
    %dma_start3A_47 = arith.constant 0 : i32
    %dma_start3A_48 = tpu.memref_slice %arg10[%add3A_44, %dma_start3A_47] : memref<10240x128xf32, #tpu.memory_space<vmem_shared>> -> memref<64x128xf32, #tpu.memory_space<vmem_shared>>
    tpu.enqueue_dma source(%arg9 : memref<64x128xf32, #tpu.memory_space<vmem>>) target(%dma_start3A_48 : memref<64x128xf32, #tpu.memory_space<vmem_shared>>) target_semaphore(%arg19 : memref<!tpu.dma_semaphore, #tpu.memory_space<semaphore_mem>>)
    %mul3A_49 = arith.constant 640 : i32
    %mul3A_50 = arith.muli %arg1, %mul3A_49 : i32
    %add3A_51 = arith.constant 256 : i32
    %add3A_52 = arith.addi %mul3A_50, %add3A_51 : i32
    %dma_start3A_53 = arith.constant 0 : i32
    %dma_start3A_54 = tpu.memref_slice %arg10[%add3A_52, %dma_start3A_53] : memref<10240x128xf32, #tpu.memory_space<vmem_shared>> -> memref<64x128xf32, #tpu.memory_space<vmem_shared>>
    %dma_start3A_55 = arith.constant 0 : i32
    %dma_start3A_56 = tpu.memref_slice %arg10[%add3A_52, %dma_start3A_55] : memref<10240x128xf32, #tpu.memory_space<vmem_shared>> -> memref<64x128xf32, #tpu.memory_space<vmem_shared>>
    tpu.enqueue_dma source(%arg9 : memref<64x128xf32, #tpu.memory_space<vmem>>) target(%dma_start3A_56 : memref<64x128xf32, #tpu.memory_space<vmem_shared>>) target_semaphore(%arg19 : memref<!tpu.dma_semaphore, #tpu.memory_space<semaphore_mem>>)
    %mul3A_57 = arith.constant 640 : i32
    %mul3A_58 = arith.muli %arg1, %mul3A_57 : i32
    %add3A_59 = arith.constant 320 : i32
    %add3A_60 = arith.addi %mul3A_58, %add3A_59 : i32
    %dma_start3A_61 = arith.constant 0 : i32
    %dma_start3A_62 = tpu.memref_slice %arg10[%add3A_60, %dma_start3A_61] : memref<10240x128xf32, #tpu.memory_space<vmem_shared>> -> memref<64x128xf32, #tpu.memory_space<vmem_shared>>
    %dma_start3A_63 = arith.constant 0 : i32
    %dma_start3A_64 = tpu.memref_slice %arg10[%add3A_60, %dma_start3A_63] : memref<10240x128xf32, #tpu.memory_space<vmem_shared>> -> memref<64x128xf32, #tpu.memory_space<vmem_shared>>
    tpu.enqueue_dma source(%arg9 : memref<64x128xf32, #tpu.memory_space<vmem>>) target(%dma_start3A_64 : memref<64x128xf32, #tpu.memory_space<vmem_shared>>) target_semaphore(%arg19 : memref<!tpu.dma_semaphore, #tpu.memory_space<semaphore_mem>>)
    %mul3A_65 = arith.constant 640 : i32
    %mul3A_66 = arith.muli %arg1, %mul3A_65 : i32
    %add3A_67 = arith.constant 384 : i32
    %add3A_68 = arith.addi %mul3A_66, %add3A_67 : i32
    %dma_start3A_69 = arith.constant 0 : i32
    %dma_start3A_70 = tpu.memref_slice %arg10[%add3A_68, %dma_start3A_69] : memref<10240x128xf32, #tpu.memory_space<vmem_shared>> -> memref<64x128xf32, #tpu.memory_space<vmem_shared>>
    %dma_start3A_71 = arith.constant 0 : i32
    %dma_start3A_72 = tpu.memref_slice %arg10[%add3A_68, %dma_start3A_71] : memref<10240x128xf32, #tpu.memory_space<vmem_shared>> -> memref<64x128xf32, #tpu.memory_space<vmem_shared>>
    tpu.enqueue_dma source(%arg9 : memref<64x128xf32, #tpu.memory_space<vmem>>) target(%dma_start3A_72 : memref<64x128xf32, #tpu.memory_space<vmem_shared>>) target_semaphore(%arg19 : memref<!tpu.dma_semaphore, #tpu.memory_space<semaphore_mem>>)
    %mul3A_73 = arith.constant 640 : i32
    %mul3A_74 = arith.muli %arg1, %mul3A_73 : i32
    %add3A_75 = arith.constant 448 : i32
    %add3A_76 = arith.addi %mul3A_74, %add3A_75 : i32
    %dma_start3A_77 = arith.constant 0 : i32
    %dma_start3A_78 = tpu.memref_slice %arg10[%add3A_76, %dma_start3A_77] : memref<10240x128xf32, #tpu.memory_space<vmem_shared>> -> memref<64x128xf32, #tpu.memory_space<vmem_shared>>
    %dma_start3A_79 = arith.constant 0 : i32
    %dma_start3A_80 = tpu.memref_slice %arg10[%add3A_76, %dma_start3A_79] : memref<10240x128xf32, #tpu.memory_space<vmem_shared>> -> memref<64x128xf32, #tpu.memory_space<vmem_shared>>
    tpu.enqueue_dma source(%arg9 : memref<64x128xf32, #tpu.memory_space<vmem>>) target(%dma_start3A_80 : memref<64x128xf32, #tpu.memory_space<vmem_shared>>) target_semaphore(%arg19 : memref<!tpu.dma_semaphore, #tpu.memory_space<semaphore_mem>>)
    %mul3A_81 = arith.constant 640 : i32
    %mul3A_82 = arith.muli %arg1, %mul3A_81 : i32
    %add3A_83 = arith.constant 512 : i32
    %add3A_84 = arith.addi %mul3A_82, %add3A_83 : i32
    %dma_start3A_85 = arith.constant 0 : i32
    %dma_start3A_86 = tpu.memref_slice %arg10[%add3A_84, %dma_start3A_85] : memref<10240x128xf32, #tpu.memory_space<vmem_shared>> -> memref<64x128xf32, #tpu.memory_space<vmem_shared>>
    %dma_start3A_87 = arith.constant 0 : i32
    %dma_start3A_88 = tpu.memref_slice %arg10[%add3A_84, %dma_start3A_87] : memref<10240x128xf32, #tpu.memory_space<vmem_shared>> -> memref<64x128xf32, #tpu.memory_space<vmem_shared>>
    tpu.enqueue_dma source(%arg9 : memref<64x128xf32, #tpu.memory_space<vmem>>) target(%dma_start3A_88 : memref<64x128xf32, #tpu.memory_space<vmem_shared>>) target_semaphore(%arg19 : memref<!tpu.dma_semaphore, #tpu.memory_space<semaphore_mem>>)
    %mul3A_89 = arith.constant 640 : i32
    %mul3A_90 = arith.muli %arg1, %mul3A_89 : i32
    %add3A_91 = arith.constant 576 : i32
    %add3A_92 = arith.addi %mul3A_90, %add3A_91 : i32
    %dma_start3A_93 = arith.constant 0 : i32
    %dma_start3A_94 = tpu.memref_slice %arg10[%add3A_92, %dma_start3A_93] : memref<10240x128xf32, #tpu.memory_space<vmem_shared>> -> memref<64x128xf32, #tpu.memory_space<vmem_shared>>
    %dma_start3A_95 = arith.constant 0 : i32
    %dma_start3A_96 = tpu.memref_slice %arg10[%add3A_92, %dma_start3A_95] : memref<10240x128xf32, #tpu.memory_space<vmem_shared>> -> memref<64x128xf32, #tpu.memory_space<vmem_shared>>
    tpu.enqueue_dma source(%arg9 : memref<64x128xf32, #tpu.memory_space<vmem>>) target(%dma_start3A_96 : memref<64x128xf32, #tpu.memory_space<vmem_shared>>) target_semaphore(%arg19 : memref<!tpu.dma_semaphore, #tpu.memory_space<semaphore_mem>>)
    %dma_wait3A = arith.constant 0 : i32
    %dma_wait3A_97 = arith.constant 0 : i32
    %dma_wait3A_98 = tpu.memref_slice %arg5[%dma_wait3A, %dma_wait3A_97] : memref<2x5120xi32, #tpu.memory_space<vmem>> -> memref<2x5120xi32, #tpu.memory_space<vmem>>
    %dma_wait3A_99 = arith.constant 0 : i32
    %dma_wait3A_100 = tpu.memref_slice %arg3[%dma_wait3A_99, %mul3A_2] : memref<2x320000xi32, #tpu.memory_space<hbm>> -> memref<2x5120xi32, #tpu.memory_space<hbm>>
    %dma_wait3A_101 = arith.constant 0 : i32
    %dma_wait3A_102 = arith.constant 0 : i32
    %dma_wait3A_103 = tpu.memref_slice %arg5[%dma_wait3A_101, %dma_wait3A_102] : memref<2x5120xi32, #tpu.memory_space<vmem>> -> memref<2x5120xi32, #tpu.memory_space<vmem>>
    %dma_wait3A_104 = arith.constant 0 : i32
    %dma_wait3A_105 = tpu.memref_slice %arg3[%dma_wait3A_104, %mul3A_2] : memref<2x320000xi32, #tpu.memory_space<hbm>> -> memref<2x5120xi32, #tpu.memory_space<hbm>>
    tpu.wait_dma2 semaphore(%arg20 : memref<!tpu.dma_semaphore, #tpu.memory_space<semaphore_mem>>) src(%dma_wait3A_105 : memref<2x5120xi32, #tpu.memory_space<hbm>>) dst(%dma_wait3A_103 : memref<2x5120xi32, #tpu.memory_space<vmem>>)
    %dma_start3A_106 = arith.constant 0 : i32
    %dma_start3A_107 = arith.constant 0 : i32
    %dma_start3A_108 = tpu.memref_slice %arg5[%dma_start3A_106, %dma_start3A_107] : memref<2x5120xi32, #tpu.memory_space<vmem>> -> memref<1x64xi32, #tpu.memory_space<vmem>>
    %dma_start3A_109 = tpu.memref_squeeze %dma_start3A_108 : memref<1x64xi32, #tpu.memory_space<vmem>> -> memref<64xi32, #tpu.memory_space<vmem>>
    %dma_start3A_110 = arith.constant 0 : i32
    %dma_start3A_111 = arith.constant 0 : i32
    %dma_start3A_112 = tpu.memref_slice %arg2[%dma_start3A_110, %dma_start3A_111] : memref<10000x128xf32, #tpu.memory_space<hbm>> -> memref<10000x128xf32, #tpu.memory_space<hbm>>
    tpu.enqueue_indirect_dma source(%dma_start3A_112 : memref<10000x128xf32, #tpu.memory_space<hbm>>) target(%arg6 : memref<64x128xf32, #tpu.memory_space<vmem>>) offsets(%dma_start3A_109 : memref<64xi32, #tpu.memory_space<vmem>>) semaphore(%arg11 : memref<!tpu.dma_semaphore, #tpu.memory_space<semaphore_mem>>)
    %dma_start3A_113 = arith.constant 0 : i32
    %dma_start3A_114 = arith.constant 64 : i32
    %dma_start3A_115 = tpu.memref_slice %arg5[%dma_start3A_113, %dma_start3A_114] : memref<2x5120xi32, #tpu.memory_space<vmem>> -> memref<1x64xi32, #tpu.memory_space<vmem>>
    %dma_start3A_116 = tpu.memref_squeeze %dma_start3A_115 : memref<1x64xi32, #tpu.memory_space<vmem>> -> memref<64xi32, #tpu.memory_space<vmem>>
    %dma_start3A_117 = arith.constant 0 : i32
    %dma_start3A_118 = arith.constant 0 : i32
    %dma_start3A_119 = tpu.memref_slice %arg2[%dma_start3A_117, %dma_start3A_118] : memref<10000x128xf32, #tpu.memory_space<hbm>> -> memref<10000x128xf32, #tpu.memory_space<hbm>>
    tpu.enqueue_indirect_dma source(%dma_start3A_119 : memref<10000x128xf32, #tpu.memory_space<hbm>>) target(%arg7 : memref<64x128xf32, #tpu.memory_space<vmem>>) offsets(%dma_start3A_116 : memref<64xi32, #tpu.memory_space<vmem>>) semaphore(%arg12 : memref<!tpu.dma_semaphore, #tpu.memory_space<semaphore_mem>>)
    %dma_start3A_120 = arith.constant 0 : i32
    %dma_start3A_121 = arith.constant 128 : i32
    %dma_start3A_122 = tpu.memref_slice %arg5[%dma_start3A_120, %dma_start3A_121] : memref<2x5120xi32, #tpu.memory_space<vmem>> -> memref<1x64xi32, #tpu.memory_space<vmem>>
    %dma_start3A_123 = tpu.memref_squeeze %dma_start3A_122 : memref<1x64xi32, #tpu.memory_space<vmem>> -> memref<64xi32, #tpu.memory_space<vmem>>
    %dma_start3A_124 = arith.constant 0 : i32
    %dma_start3A_125 = arith.constant 0 : i32
    %dma_start3A_126 = tpu.memref_slice %arg2[%dma_start3A_124, %dma_start3A_125] : memref<10000x128xf32, #tpu.memory_space<hbm>> -> memref<10000x128xf32, #tpu.memory_space<hbm>>
    tpu.enqueue_indirect_dma source(%dma_start3A_126 : memref<10000x128xf32, #tpu.memory_space<hbm>>) target(%arg8 : memref<64x128xf32, #tpu.memory_space<vmem>>) offsets(%dma_start3A_123 : memref<64xi32, #tpu.memory_space<vmem>>) semaphore(%arg13 : memref<!tpu.dma_semaphore, #tpu.memory_space<semaphore_mem>>)
    %mul3A_127 = arith.constant 640 : i32
    %mul3A_128 = arith.muli %arg1, %mul3A_127 : i32
    %dma_wait3A_129 = arith.constant 0 : i32
    %dma_wait3A_130 = tpu.memref_slice %arg10[%mul3A_128, %dma_wait3A_129] : memref<10240x128xf32, #tpu.memory_space<vmem_shared>> -> memref<64x128xf32, #tpu.memory_space<vmem_shared>>
    %dma_wait3A_131 = arith.constant 0 : i32
    %dma_wait3A_132 = tpu.memref_slice %arg10[%mul3A_128, %dma_wait3A_131] : memref<10240x128xf32, #tpu.memory_space<vmem_shared>> -> memref<64x128xf32, #tpu.memory_space<vmem_shared>>
    tpu.wait_dma2 semaphore(%arg19 : memref<!tpu.dma_semaphore, #tpu.memory_space<semaphore_mem>>) src(%arg9 : memref<64x128xf32, #tpu.memory_space<vmem>>) dst(%dma_wait3A_132 : memref<64x128xf32, #tpu.memory_space<vmem_shared>>)
    %mul3A_133 = arith.constant 640 : i32
    %mul3A_134 = arith.muli %arg1, %mul3A_133 : i32
    %dma_wait3A_135 = arith.constant 0 : i32
    %dma_wait3A_136 = tpu.memref_slice %arg10[%mul3A_134, %dma_wait3A_135] : memref<10240x128xf32, #tpu.memory_space<vmem_shared>> -> memref<64x128xf32, #tpu.memory_space<vmem_shared>>
    %dma_wait3A_137 = arith.constant 0 : i32
    %dma_wait3A_138 = tpu.memref_slice %arg10[%mul3A_134, %dma_wait3A_137] : memref<10240x128xf32, #tpu.memory_space<vmem_shared>> -> memref<64x128xf32, #tpu.memory_space<vmem_shared>>
    tpu.wait_dma2 semaphore(%arg19 : memref<!tpu.dma_semaphore, #tpu.memory_space<semaphore_mem>>) src(%arg9 : memref<64x128xf32, #tpu.memory_space<vmem>>) dst(%dma_wait3A_138 : memref<64x128xf32, #tpu.memory_space<vmem_shared>>)
    %mul3A_139 = arith.constant 640 : i32
    %mul3A_140 = arith.muli %arg1, %mul3A_139 : i32
    %dma_wait3A_141 = arith.constant 0 : i32
    %dma_wait3A_142 = tpu.memref_slice %arg10[%mul3A_140, %dma_wait3A_141] : memref<10240x128xf32, #tpu.memory_space<vmem_shared>> -> memref<64x128xf32, #tpu.memory_space<vmem_shared>>
    %dma_wait3A_143 = arith.constant 0 : i32
    %dma_wait3A_144 = tpu.memref_slice %arg10[%mul3A_140, %dma_wait3A_143] : memref<10240x128xf32, #tpu.memory_space<vmem_shared>> -> memref<64x128xf32, #tpu.memory_space<vmem_shared>>
    tpu.wait_dma2 semaphore(%arg19 : memref<!tpu.dma_semaphore, #tpu.memory_space<semaphore_mem>>) src(%arg9 : memref<64x128xf32, #tpu.memory_space<vmem>>) dst(%dma_wait3A_144 : memref<64x128xf32, #tpu.memory_space<vmem_shared>>)
    %mul3A_145 = arith.constant 640 : i32
    %mul3A_146 = arith.muli %arg1, %mul3A_145 : i32
    %dma_wait3A_147 = arith.constant 0 : i32
    %dma_wait3A_148 = tpu.memref_slice %arg10[%mul3A_146, %dma_wait3A_147] : memref<10240x128xf32, #tpu.memory_space<vmem_shared>> -> memref<64x128xf32, #tpu.memory_space<vmem_shared>>
    %dma_wait3A_149 = arith.constant 0 : i32
    %dma_wait3A_150 = tpu.memref_slice %arg10[%mul3A_146, %dma_wait3A_149] : memref<10240x128xf32, #tpu.memory_space<vmem_shared>> -> memref<64x128xf32, #tpu.memory_space<vmem_shared>>
    tpu.wait_dma2 semaphore(%arg19 : memref<!tpu.dma_semaphore, #tpu.memory_space<semaphore_mem>>) src(%arg9 : memref<64x128xf32, #tpu.memory_space<vmem>>) dst(%dma_wait3A_150 : memref<64x128xf32, #tpu.memory_space<vmem_shared>>)
    %mul3A_151 = arith.constant 640 : i32
    %mul3A_152 = arith.muli %arg1, %mul3A_151 : i32
    %dma_wait3A_153 = arith.constant 0 : i32
    %dma_wait3A_154 = tpu.memref_slice %arg10[%mul3A_152, %dma_wait3A_153] : memref<10240x128xf32, #tpu.memory_space<vmem_shared>> -> memref<64x128xf32, #tpu.memory_space<vmem_shared>>
    %dma_wait3A_155 = arith.constant 0 : i32
    %dma_wait3A_156 = tpu.memref_slice %arg10[%mul3A_152, %dma_wait3A_155] : memref<10240x128xf32, #tpu.memory_space<vmem_shared>> -> memref<64x128xf32, #tpu.memory_space<vmem_shared>>
    tpu.wait_dma2 semaphore(%arg19 : memref<!tpu.dma_semaphore, #tpu.memory_space<semaphore_mem>>) src(%arg9 : memref<64x128xf32, #tpu.memory_space<vmem>>) dst(%dma_wait3A_156 : memref<64x128xf32, #tpu.memory_space<vmem_shared>>)
    %mul3A_157 = arith.constant 640 : i32
    %mul3A_158 = arith.muli %arg1, %mul3A_157 : i32
    %dma_wait3A_159 = arith.constant 0 : i32
    %dma_wait3A_160 = tpu.memref_slice %arg10[%mul3A_158, %dma_wait3A_159] : memref<10240x128xf32, #tpu.memory_space<vmem_shared>> -> memref<64x128xf32, #tpu.memory_space<vmem_shared>>
    %dma_wait3A_161 = arith.constant 0 : i32
    %dma_wait3A_162 = tpu.memref_slice %arg10[%mul3A_158, %dma_wait3A_161] : memref<10240x128xf32, #tpu.memory_space<vmem_shared>> -> memref<64x128xf32, #tpu.memory_space<vmem_shared>>
    tpu.wait_dma2 semaphore(%arg19 : memref<!tpu.dma_semaphore, #tpu.memory_space<semaphore_mem>>) src(%arg9 : memref<64x128xf32, #tpu.memory_space<vmem>>) dst(%dma_wait3A_162 : memref<64x128xf32, #tpu.memory_space<vmem_shared>>)
    %mul3A_163 = arith.constant 640 : i32
    %mul3A_164 = arith.muli %arg1, %mul3A_163 : i32
    %dma_wait3A_165 = arith.constant 0 : i32
    %dma_wait3A_166 = tpu.memref_slice %arg10[%mul3A_164, %dma_wait3A_165] : memref<10240x128xf32, #tpu.memory_space<vmem_shared>> -> memref<64x128xf32, #tpu.memory_space<vmem_shared>>
    %dma_wait3A_167 = arith.constant 0 : i32
    %dma_wait3A_168 = tpu.memref_slice %arg10[%mul3A_164, %dma_wait3A_167] : memref<10240x128xf32, #tpu.memory_space<vmem_shared>> -> memref<64x128xf32, #tpu.memory_space<vmem_shared>>
    tpu.wait_dma2 semaphore(%arg19 : memref<!tpu.dma_semaphore, #tpu.memory_space<semaphore_mem>>) src(%arg9 : memref<64x128xf32, #tpu.memory_space<vmem>>) dst(%dma_wait3A_168 : memref<64x128xf32, #tpu.memory_space<vmem_shared>>)
    %mul3A_169 = arith.constant 640 : i32
    %mul3A_170 = arith.muli %arg1, %mul3A_169 : i32
    %dma_wait3A_171 = arith.constant 0 : i32
    %dma_wait3A_172 = tpu.memref_slice %arg10[%mul3A_170, %dma_wait3A_171] : memref<10240x128xf32, #tpu.memory_space<vmem_shared>> -> memref<64x128xf32, #tpu.memory_space<vmem_shared>>
    %dma_wait3A_173 = arith.constant 0 : i32
    %dma_wait3A_174 = tpu.memref_slice %arg10[%mul3A_170, %dma_wait3A_173] : memref<10240x128xf32, #tpu.memory_space<vmem_shared>> -> memref<64x128xf32, #tpu.memory_space<vmem_shared>>
    tpu.wait_dma2 semaphore(%arg19 : memref<!tpu.dma_semaphore, #tpu.memory_space<semaphore_mem>>) src(%arg9 : memref<64x128xf32, #tpu.memory_space<vmem>>) dst(%dma_wait3A_174 : memref<64x128xf32, #tpu.memory_space<vmem_shared>>)
    %mul3A_175 = arith.constant 640 : i32
    %mul3A_176 = arith.muli %arg1, %mul3A_175 : i32
    %dma_wait3A_177 = arith.constant 0 : i32
    %dma_wait3A_178 = tpu.memref_slice %arg10[%mul3A_176, %dma_wait3A_177] : memref<10240x128xf32, #tpu.memory_space<vmem_shared>> -> memref<64x128xf32, #tpu.memory_space<vmem_shared>>
    %dma_wait3A_179 = arith.constant 0 : i32
    %dma_wait3A_180 = tpu.memref_slice %arg10[%mul3A_176, %dma_wait3A_179] : memref<10240x128xf32, #tpu.memory_space<vmem_shared>> -> memref<64x128xf32, #tpu.memory_space<vmem_shared>>
    tpu.wait_dma2 semaphore(%arg19 : memref<!tpu.dma_semaphore, #tpu.memory_space<semaphore_mem>>) src(%arg9 : memref<64x128xf32, #tpu.memory_space<vmem>>) dst(%dma_wait3A_180 : memref<64x128xf32, #tpu.memory_space<vmem_shared>>)
    %mul3A_181 = arith.constant 640 : i32
    %mul3A_182 = arith.muli %arg1, %mul3A_181 : i32
    %dma_wait3A_183 = arith.constant 0 : i32
    %dma_wait3A_184 = tpu.memref_slice %arg10[%mul3A_182, %dma_wait3A_183] : memref<10240x128xf32, #tpu.memory_space<vmem_shared>> -> memref<64x128xf32, #tpu.memory_space<vmem_shared>>
    %dma_wait3A_185 = arith.constant 0 : i32
    %dma_wait3A_186 = tpu.memref_slice %arg10[%mul3A_182, %dma_wait3A_185] : memref<10240x128xf32, #tpu.memory_space<vmem_shared>> -> memref<64x128xf32, #tpu.memory_space<vmem_shared>>
    tpu.wait_dma2 semaphore(%arg19 : memref<!tpu.dma_semaphore, #tpu.memory_space<semaphore_mem>>) src(%arg9 : memref<64x128xf32, #tpu.memory_space<vmem>>) dst(%dma_wait3A_186 : memref<64x128xf32, #tpu.memory_space<vmem_shared>>)
    %barrier3A = arith.constant 0 : index
    tpu.barrier barrier_id(%barrier3A)
    %dma_wait3A_187 = arith.constant 0 : i32
    %dma_wait3A_188 = arith.constant 0 : i32
    %dma_wait3A_189 = tpu.memref_slice %arg5[%dma_wait3A_187, %dma_wait3A_188] : memref<2x5120xi32, #tpu.memory_space<vmem>> -> memref<1x64xi32, #tpu.memory_space<vmem>>
    %dma_wait3A_190 = tpu.memref_squeeze %dma_wait3A_189 : memref<1x64xi32, #tpu.memory_space<vmem>> -> memref<64xi32, #tpu.memory_space<vmem>>
    %dma_wait3A_191 = arith.constant 0 : i32
    %dma_wait3A_192 = arith.constant 0 : i32
    %dma_wait3A_193 = tpu.memref_slice %arg2[%dma_wait3A_191, %dma_wait3A_192] : memref<10000x128xf32, #tpu.memory_space<hbm>> -> memref<10000x128xf32, #tpu.memory_space<hbm>>
    tpu.wait_indirect_dma semaphore(%arg11 : memref<!tpu.dma_semaphore, #tpu.memory_space<semaphore_mem>>) src(%dma_wait3A_193 : memref<10000x128xf32, #tpu.memory_space<hbm>>) dst(%arg6 : memref<64x128xf32, #tpu.memory_space<vmem>>)
    %dma_start3A_194 = arith.constant 0 : i32
    %dma_start3A_195 = arith.constant 192 : i32
    %dma_start3A_196 = tpu.memref_slice %arg5[%dma_start3A_194, %dma_start3A_195] : memref<2x5120xi32, #tpu.memory_space<vmem>> -> memref<1x64xi32, #tpu.memory_space<vmem>>
    %dma_start3A_197 = tpu.memref_squeeze %dma_start3A_196 : memref<1x64xi32, #tpu.memory_space<vmem>> -> memref<64xi32, #tpu.memory_space<vmem>>
    %dma_start3A_198 = arith.constant 0 : i32
    %dma_start3A_199 = arith.constant 0 : i32
    %dma_start3A_200 = tpu.memref_slice %arg2[%dma_start3A_198, %dma_start3A_199] : memref<10000x128xf32, #tpu.memory_space<hbm>> -> memref<10000x128xf32, #tpu.memory_space<hbm>>
    tpu.enqueue_indirect_dma source(%dma_start3A_200 : memref<10000x128xf32, #tpu.memory_space<hbm>>) target(%arg9 : memref<64x128xf32, #tpu.memory_space<vmem>>) offsets(%dma_start3A_197 : memref<64xi32, #tpu.memory_space<vmem>>) semaphore(%arg14 : memref<!tpu.dma_semaphore, #tpu.memory_space<semaphore_mem>>)
    %dma_start3A_201 = arith.constant 1 : i32
    %dma_start3A_202 = arith.constant 0 : i32
    %dma_start3A_203 = tpu.memref_slice %arg5[%dma_start3A_201, %dma_start3A_202] : memref<2x5120xi32, #tpu.memory_space<vmem>> -> memref<1x64xi32, #tpu.memory_space<vmem>>
    %dma_start3A_204 = tpu.memref_squeeze %dma_start3A_203 : memref<1x64xi32, #tpu.memory_space<vmem>> -> memref<64xi32, #tpu.memory_space<vmem>>
    %dma_start3A_205 = arith.constant 0 : i32
    %dma_start3A_206 = arith.constant 0 : i32
    %dma_start3A_207 = tpu.memref_slice %arg10[%dma_start3A_205, %dma_start3A_206] : memref<10240x128xf32, #tpu.memory_space<vmem_shared>> -> memref<10240x128xf32, #tpu.memory_space<vmem_shared>>
    tpu.enqueue_indirect_dma source(%arg6 : memref<64x128xf32, #tpu.memory_space<vmem>>) target(%dma_start3A_207 : memref<10240x128xf32, #tpu.memory_space<vmem_shared>>) offsets(%dma_start3A_204 : memref<64xi32, #tpu.memory_space<vmem>>) semaphore(%arg15 : memref<!tpu.dma_semaphore, #tpu.memory_space<semaphore_mem>>) {add = true}
    %dma_wait3A_208 = arith.constant 0 : i32
    %dma_wait3A_209 = arith.constant 0 : i32
    %dma_wait3A_210 = tpu.memref_slice %arg5[%dma_wait3A_208, %dma_wait3A_209] : memref<2x5120xi32, #tpu.memory_space<vmem>> -> memref<1x64xi32, #tpu.memory_space<vmem>>
    %dma_wait3A_211 = tpu.memref_squeeze %dma_wait3A_210 : memref<1x64xi32, #tpu.memory_space<vmem>> -> memref<64xi32, #tpu.memory_space<vmem>>
    %dma_wait3A_212 = arith.constant 0 : i32
    %dma_wait3A_213 = arith.constant 0 : i32
    %dma_wait3A_214 = tpu.memref_slice %arg2[%dma_wait3A_212, %dma_wait3A_213] : memref<10000x128xf32, #tpu.memory_space<hbm>> -> memref<10000x128xf32, #tpu.memory_space<hbm>>
    tpu.wait_indirect_dma semaphore(%arg12 : memref<!tpu.dma_semaphore, #tpu.memory_space<semaphore_mem>>) src(%dma_wait3A_214 : memref<10000x128xf32, #tpu.memory_space<hbm>>) dst(%arg7 : memref<64x128xf32, #tpu.memory_space<vmem>>)
    %dma_wait3A_215 = arith.constant 1 : i32
    %dma_wait3A_216 = arith.constant 0 : i32
    %dma_wait3A_217 = tpu.memref_slice %arg5[%dma_wait3A_215, %dma_wait3A_216] : memref<2x5120xi32, #tpu.memory_space<vmem>> -> memref<1x64xi32, #tpu.memory_space<vmem>>
    %dma_wait3A_218 = tpu.memref_squeeze %dma_wait3A_217 : memref<1x64xi32, #tpu.memory_space<vmem>> -> memref<64xi32, #tpu.memory_space<vmem>>
    %dma_wait3A_219 = arith.constant 0 : i32
    %dma_wait3A_220 = arith.constant 0 : i32
    %dma_wait3A_221 = tpu.memref_slice %arg10[%dma_wait3A_219, %dma_wait3A_220] : memref<10240x128xf32, #tpu.memory_space<vmem_shared>> -> memref<10240x128xf32, #tpu.memory_space<vmem_shared>>
    tpu.wait_indirect_dma semaphore(%arg15 : memref<!tpu.dma_semaphore, #tpu.memory_space<semaphore_mem>>) src(%arg6 : memref<64x128xf32, #tpu.memory_space<vmem>>) dst(%dma_wait3A_221 : memref<10240x128xf32, #tpu.memory_space<vmem_shared>>)
    %dma_start3A_222 = arith.constant 0 : i32
    %dma_start3A_223 = arith.constant 256 : i32
    %dma_start3A_224 = tpu.memref_slice %arg5[%dma_start3A_222, %dma_start3A_223] : memref<2x5120xi32, #tpu.memory_space<vmem>> -> memref<1x64xi32, #tpu.memory_space<vmem>>
    %dma_start3A_225 = tpu.memref_squeeze %dma_start3A_224 : memref<1x64xi32, #tpu.memory_space<vmem>> -> memref<64xi32, #tpu.memory_space<vmem>>
    %dma_start3A_226 = arith.constant 0 : i32
    %dma_start3A_227 = arith.constant 0 : i32
    %dma_start3A_228 = tpu.memref_slice %arg2[%dma_start3A_226, %dma_start3A_227] : memref<10000x128xf32, #tpu.memory_space<hbm>> -> memref<10000x128xf32, #tpu.memory_space<hbm>>
    tpu.enqueue_indirect_dma source(%dma_start3A_228 : memref<10000x128xf32, #tpu.memory_space<hbm>>) target(%arg6 : memref<64x128xf32, #tpu.memory_space<vmem>>) offsets(%dma_start3A_225 : memref<64xi32, #tpu.memory_space<vmem>>) semaphore(%arg11 : memref<!tpu.dma_semaphore, #tpu.memory_space<semaphore_mem>>)
    %dma_start3A_229 = arith.constant 1 : i32
    %dma_start3A_230 = arith.constant 64 : i32
    %dma_start3A_231 = tpu.memref_slice %arg5[%dma_start3A_229, %dma_start3A_230] : memref<2x5120xi32, #tpu.memory_space<vmem>> -> memref<1x64xi32, #tpu.memory_space<vmem>>
    %dma_start3A_232 = tpu.memref_squeeze %dma_start3A_231 : memref<1x64xi32, #tpu.memory_space<vmem>> -> memref<64xi32, #tpu.memory_space<vmem>>
    %dma_start3A_233 = arith.constant 0 : i32
    %dma_start3A_234 = arith.constant 0 : i32
    %dma_start3A_235 = tpu.memref_slice %arg10[%dma_start3A_233, %dma_start3A_234] : memref<10240x128xf32, #tpu.memory_space<vmem_shared>> -> memref<10240x128xf32, #tpu.memory_space<vmem_shared>>
    tpu.enqueue_indirect_dma source(%arg7 : memref<64x128xf32, #tpu.memory_space<vmem>>) target(%dma_start3A_235 : memref<10240x128xf32, #tpu.memory_space<vmem_shared>>) offsets(%dma_start3A_232 : memref<64xi32, #tpu.memory_space<vmem>>) semaphore(%arg16 : memref<!tpu.dma_semaphore, #tpu.memory_space<semaphore_mem>>) {add = true}
    %dma_wait3A_236 = arith.constant 0 : i32
    %dma_wait3A_237 = arith.constant 0 : i32
    %dma_wait3A_238 = tpu.memref_slice %arg5[%dma_wait3A_236, %dma_wait3A_237] : memref<2x5120xi32, #tpu.memory_space<vmem>> -> memref<1x64xi32, #tpu.memory_space<vmem>>
    %dma_wait3A_239 = tpu.memref_squeeze %dma_wait3A_238 : memref<1x64xi32, #tpu.memory_space<vmem>> -> memref<64xi32, #tpu.memory_space<vmem>>
    %dma_wait3A_240 = arith.constant 0 : i32
    %dma_wait3A_241 = arith.constant 0 : i32
    %dma_wait3A_242 = tpu.memref_slice %arg2[%dma_wait3A_240, %dma_wait3A_241] : memref<10000x128xf32, #tpu.memory_space<hbm>> -> memref<10000x128xf32, #tpu.memory_space<hbm>>
    tpu.wait_indirect_dma semaphore(%arg13 : memref<!tpu.dma_semaphore, #tpu.memory_space<semaphore_mem>>) src(%dma_wait3A_242 : memref<10000x128xf32, #tpu.memory_space<hbm>>) dst(%arg8 : memref<64x128xf32, #tpu.memory_space<vmem>>)
    %dma_wait3A_243 = arith.constant 1 : i32
    %dma_wait3A_244 = arith.constant 0 : i32
    %dma_wait3A_245 = tpu.memref_slice %arg5[%dma_wait3A_243, %dma_wait3A_244] : memref<2x5120xi32, #tpu.memory_space<vmem>> -> memref<1x64xi32, #tpu.memory_space<vmem>>
    %dma_wait3A_246 = tpu.memref_squeeze %dma_wait3A_245 : memref<1x64xi32, #tpu.memory_space<vmem>> -> memref<64xi32, #tpu.memory_space<vmem>>
    %dma_wait3A_247 = arith.constant 0 : i32
    %dma_wait3A_248 = arith.constant 0 : i32
    %dma_wait3A_249 = tpu.memref_slice %arg10[%dma_wait3A_247, %dma_wait3A_248] : memref<10240x128xf32, #tpu.memory_space<vmem_shared>> -> memref<10240x128xf32, #tpu.memory_space<vmem_shared>>
    tpu.wait_indirect_dma semaphore(%arg16 : memref<!tpu.dma_semaphore, #tpu.memory_space<semaphore_mem>>) src(%arg7 : memref<64x128xf32, #tpu.memory_space<vmem>>) dst(%dma_wait3A_249 : memref<10240x128xf32, #tpu.memory_space<vmem_shared>>)
    %dma_start3A_250 = arith.constant 0 : i32
    %dma_start3A_251 = arith.constant 320 : i32
    %dma_start3A_252 = tpu.memref_slice %arg5[%dma_start3A_250, %dma_start3A_251] : memref<2x5120xi32, #tpu.memory_space<vmem>> -> memref<1x64xi32, #tpu.memory_space<vmem>>
    %dma_start3A_253 = tpu.memref_squeeze %dma_start3A_252 : memref<1x64xi32, #tpu.memory_space<vmem>> -> memref<64xi32, #tpu.memory_space<vmem>>
    %dma_start3A_254 = arith.constant 0 : i32
    %dma_start3A_255 = arith.constant 0 : i32
    %dma_start3A_256 = tpu.memref_slice %arg2[%dma_start3A_254, %dma_start3A_255] : memref<10000x128xf32, #tpu.memory_space<hbm>> -> memref<10000x128xf32, #tpu.memory_space<hbm>>
    tpu.enqueue_indirect_dma source(%dma_start3A_256 : memref<10000x128xf32, #tpu.memory_space<hbm>>) target(%arg7 : memref<64x128xf32, #tpu.memory_space<vmem>>) offsets(%dma_start3A_253 : memref<64xi32, #tpu.memory_space<vmem>>) semaphore(%arg12 : memref<!tpu.dma_semaphore, #tpu.memory_space<semaphore_mem>>)
    %dma_start3A_257 = arith.constant 1 : i32
    %dma_start3A_258 = arith.constant 128 : i32
    %dma_start3A_259 = tpu.memref_slice %arg5[%dma_start3A_257, %dma_start3A_258] : memref<2x5120xi32, #tpu.memory_space<vmem>> -> memref<1x64xi32, #tpu.memory_space<vmem>>
    %dma_start3A_260 = tpu.memref_squeeze %dma_start3A_259 : memref<1x64xi32, #tpu.memory_space<vmem>> -> memref<64xi32, #tpu.memory_space<vmem>>
    %dma_start3A_261 = arith.constant 0 : i32
    %dma_start3A_262 = arith.constant 0 : i32
    %dma_start3A_263 = tpu.memref_slice %arg10[%dma_start3A_261, %dma_start3A_262] : memref<10240x128xf32, #tpu.memory_space<vmem_shared>> -> memref<10240x128xf32, #tpu.memory_space<vmem_shared>>
    tpu.enqueue_indirect_dma source(%arg8 : memref<64x128xf32, #tpu.memory_space<vmem>>) target(%dma_start3A_263 : memref<10240x128xf32, #tpu.memory_space<vmem_shared>>) offsets(%dma_start3A_260 : memref<64xi32, #tpu.memory_space<vmem>>) semaphore(%arg17 : memref<!tpu.dma_semaphore, #tpu.memory_space<semaphore_mem>>) {add = true}
    %dma_wait3A_264 = arith.constant 0 : i32
    %dma_wait3A_265 = arith.constant 0 : i32
    %dma_wait3A_266 = tpu.memref_slice %arg5[%dma_wait3A_264, %dma_wait3A_265] : memref<2x5120xi32, #tpu.memory_space<vmem>> -> memref<1x64xi32, #tpu.memory_space<vmem>>
    %dma_wait3A_267 = tpu.memref_squeeze %dma_wait3A_266 : memref<1x64xi32, #tpu.memory_space<vmem>> -> memref<64xi32, #tpu.memory_space<vmem>>
    %dma_wait3A_268 = arith.constant 0 : i32
    %dma_wait3A_269 = arith.constant 0 : i32
    %dma_wait3A_270 = tpu.memref_slice %arg2[%dma_wait3A_268, %dma_wait3A_269] : memref<10000x128xf32, #tpu.memory_space<hbm>> -> memref<10000x128xf32, #tpu.memory_space<hbm>>
    tpu.wait_indirect_dma semaphore(%arg14 : memref<!tpu.dma_semaphore, #tpu.memory_space<semaphore_mem>>) src(%dma_wait3A_270 : memref<10000x128xf32, #tpu.memory_space<hbm>>) dst(%arg9 : memref<64x128xf32, #tpu.memory_space<vmem>>)
    %dma_wait3A_271 = arith.constant 1 : i32
    %dma_wait3A_272 = arith.constant 0 : i32
    %dma_wait3A_273 = tpu.memref_slice %arg5[%dma_wait3A_271, %dma_wait3A_272] : memref<2x5120xi32, #tpu.memory_space<vmem>> -> memref<1x64xi32, #tpu.memory_space<vmem>>
    %dma_wait3A_274 = tpu.memref_squeeze %dma_wait3A_273 : memref<1x64xi32, #tpu.memory_space<vmem>> -> memref<64xi32, #tpu.memory_space<vmem>>
    %dma_wait3A_275 = arith.constant 0 : i32
    %dma_wait3A_276 = arith.constant 0 : i32
    %dma_wait3A_277 = tpu.memref_slice %arg10[%dma_wait3A_275, %dma_wait3A_276] : memref<10240x128xf32, #tpu.memory_space<vmem_shared>> -> memref<10240x128xf32, #tpu.memory_space<vmem_shared>>
    tpu.wait_indirect_dma semaphore(%arg17 : memref<!tpu.dma_semaphore, #tpu.memory_space<semaphore_mem>>) src(%arg8 : memref<64x128xf32, #tpu.memory_space<vmem>>) dst(%dma_wait3A_277 : memref<10240x128xf32, #tpu.memory_space<vmem_shared>>)
    %dma_start3A_278 = arith.constant 0 : i32
    %dma_start3A_279 = arith.constant 384 : i32
    %dma_start3A_280 = tpu.memref_slice %arg5[%dma_start3A_278, %dma_start3A_279] : memref<2x5120xi32, #tpu.memory_space<vmem>> -> memref<1x64xi32, #tpu.memory_space<vmem>>
    %dma_start3A_281 = tpu.memref_squeeze %dma_start3A_280 : memref<1x64xi32, #tpu.memory_space<vmem>> -> memref<64xi32, #tpu.memory_space<vmem>>
    %dma_start3A_282 = arith.constant 0 : i32
    %dma_start3A_283 = arith.constant 0 : i32
    %dma_start3A_284 = tpu.memref_slice %arg2[%dma_start3A_282, %dma_start3A_283] : memref<10000x128xf32, #tpu.memory_space<hbm>> -> memref<10000x128xf32, #tpu.memory_space<hbm>>
    tpu.enqueue_indirect_dma source(%dma_start3A_284 : memref<10000x128xf32, #tpu.memory_space<hbm>>) target(%arg8 : memref<64x128xf32, #tpu.memory_space<vmem>>) offsets(%dma_start3A_281 : memref<64xi32, #tpu.memory_space<vmem>>) semaphore(%arg13 : memref<!tpu.dma_semaphore, #tpu.memory_space<semaphore_mem>>)
    %dma_start3A_285 = arith.constant 1 : i32
    %dma_start3A_286 = arith.constant 192 : i32
    %dma_start3A_287 = tpu.memref_slice %arg5[%dma_start3A_285, %dma_start3A_286] : memref<2x5120xi32, #tpu.memory_space<vmem>> -> memref<1x64xi32, #tpu.memory_space<vmem>>
    %dma_start3A_288 = tpu.memref_squeeze %dma_start3A_287 : memref<1x64xi32, #tpu.memory_space<vmem>> -> memref<64xi32, #tpu.memory_space<vmem>>
    %dma_start3A_289 = arith.constant 0 : i32
    %dma_start3A_290 = arith.constant 0 : i32
    %dma_start3A_291 = tpu.memref_slice %arg10[%dma_start3A_289, %dma_start3A_290] : memref<10240x128xf32, #tpu.memory_space<vmem_shared>> -> memref<10240x128xf32, #tpu.memory_space<vmem_shared>>
    tpu.enqueue_indirect_dma source(%arg9 : memref<64x128xf32, #tpu.memory_space<vmem>>) target(%dma_start3A_291 : memref<10240x128xf32, #tpu.memory_space<vmem_shared>>) offsets(%dma_start3A_288 : memref<64xi32, #tpu.memory_space<vmem>>) semaphore(%arg18 : memref<!tpu.dma_semaphore, #tpu.memory_space<semaphore_mem>>) {add = true}
    %scan3A_292 = arith.constant 0 : i32
    %scan3A_293 = arith.constant 18 : i32
    %scan3A_294 = arith.addi %scan3A_292, %scan3A_293 : i32
    %scan3A_295 = arith.constant 1 : i32
    scf.for %scan3A_636 = %scan3A_292 to %scan3A_294 step %scan3A_295  : i32 {
      %mul3A_637 = arith.constant 4 : i32
      %mul3A_638 = arith.muli %scan3A_636, %mul3A_637 : i32
      %add3A_639 = arith.constant 4 : i32
      %add3A_640 = arith.addi %add3A_639, %mul3A_638 : i32
      %dma_wait3A_641 = arith.constant 0 : i32
      %dma_wait3A_642 = arith.constant 0 : i32
      %dma_wait3A_643 = tpu.memref_slice %arg5[%dma_wait3A_641, %dma_wait3A_642] : memref<2x5120xi32, #tpu.memory_space<vmem>> -> memref<1x64xi32, #tpu.memory_space<vmem>>
      %dma_wait3A_644 = tpu.memref_squeeze %dma_wait3A_643 : memref<1x64xi32, #tpu.memory_space<vmem>> -> memref<64xi32, #tpu.memory_space<vmem>>
      %dma_wait3A_645 = arith.constant 0 : i32
      %dma_wait3A_646 = arith.constant 0 : i32
      %dma_wait3A_647 = tpu.memref_slice %arg2[%dma_wait3A_645, %dma_wait3A_646] : memref<10000x128xf32, #tpu.memory_space<hbm>> -> memref<10000x128xf32, #tpu.memory_space<hbm>>
      tpu.wait_indirect_dma semaphore(%arg11 : memref<!tpu.dma_semaphore, #tpu.memory_space<semaphore_mem>>) src(%dma_wait3A_647 : memref<10000x128xf32, #tpu.memory_space<hbm>>) dst(%arg6 : memref<64x128xf32, #tpu.memory_space<vmem>>)
      %dma_wait3A_648 = arith.constant 1 : i32
      %dma_wait3A_649 = arith.constant 0 : i32
      %dma_wait3A_650 = tpu.memref_slice %arg5[%dma_wait3A_648, %dma_wait3A_649] : memref<2x5120xi32, #tpu.memory_space<vmem>> -> memref<1x64xi32, #tpu.memory_space<vmem>>
      %dma_wait3A_651 = tpu.memref_squeeze %dma_wait3A_650 : memref<1x64xi32, #tpu.memory_space<vmem>> -> memref<64xi32, #tpu.memory_space<vmem>>
      %dma_wait3A_652 = arith.constant 0 : i32
      %dma_wait3A_653 = arith.constant 0 : i32
      %dma_wait3A_654 = tpu.memref_slice %arg10[%dma_wait3A_652, %dma_wait3A_653] : memref<10240x128xf32, #tpu.memory_space<vmem_shared>> -> memref<10240x128xf32, #tpu.memory_space<vmem_shared>>
      tpu.wait_indirect_dma semaphore(%arg18 : memref<!tpu.dma_semaphore, #tpu.memory_space<semaphore_mem>>) src(%arg9 : memref<64x128xf32, #tpu.memory_space<vmem>>) dst(%dma_wait3A_654 : memref<10240x128xf32, #tpu.memory_space<vmem_shared>>)
      %add3A_655 = arith.constant 0 : i32
      %add3A_656 = arith.addi %add3A_640, %add3A_655 : i32
      %add3A_657 = arith.constant 3 : i32
      %add3A_658 = arith.addi %add3A_656, %add3A_657 : i32
      %mul3A_659 = arith.constant 64 : i32
      %mul3A_660 = arith.muli %add3A_658, %mul3A_659 : i32
      %dma_start3A_661 = arith.constant 0 : i32
      %dma_start3A_662 = tpu.memref_slice %arg5[%dma_start3A_661, %mul3A_660] : memref<2x5120xi32, #tpu.memory_space<vmem>> -> memref<1x64xi32, #tpu.memory_space<vmem>>
      %dma_start3A_663 = tpu.memref_squeeze %dma_start3A_662 : memref<1x64xi32, #tpu.memory_space<vmem>> -> memref<64xi32, #tpu.memory_space<vmem>>
      %dma_start3A_664 = arith.constant 0 : i32
      %dma_start3A_665 = arith.constant 0 : i32
      %dma_start3A_666 = tpu.memref_slice %arg2[%dma_start3A_664, %dma_start3A_665] : memref<10000x128xf32, #tpu.memory_space<hbm>> -> memref<10000x128xf32, #tpu.memory_space<hbm>>
      tpu.enqueue_indirect_dma source(%dma_start3A_666 : memref<10000x128xf32, #tpu.memory_space<hbm>>) target(%arg9 : memref<64x128xf32, #tpu.memory_space<vmem>>) offsets(%dma_start3A_663 : memref<64xi32, #tpu.memory_space<vmem>>) semaphore(%arg14 : memref<!tpu.dma_semaphore, #tpu.memory_space<semaphore_mem>>)
      %add3A_667 = arith.constant 0 : i32
      %add3A_668 = arith.addi %add3A_640, %add3A_667 : i32
      %mul3A_669 = arith.constant 64 : i32
      %mul3A_670 = arith.muli %add3A_668, %mul3A_669 : i32
      %dma_start3A_671 = arith.constant 1 : i32
      %dma_start3A_672 = tpu.memref_slice %arg5[%dma_start3A_671, %mul3A_670] : memref<2x5120xi32, #tpu.memory_space<vmem>> -> memref<1x64xi32, #tpu.memory_space<vmem>>
      %dma_start3A_673 = tpu.memref_squeeze %dma_start3A_672 : memref<1x64xi32, #tpu.memory_space<vmem>> -> memref<64xi32, #tpu.memory_space<vmem>>
      %dma_start3A_674 = arith.constant 0 : i32
      %dma_start3A_675 = arith.constant 0 : i32
      %dma_start3A_676 = tpu.memref_slice %arg10[%dma_start3A_674, %dma_start3A_675] : memref<10240x128xf32, #tpu.memory_space<vmem_shared>> -> memref<10240x128xf32, #tpu.memory_space<vmem_shared>>
      tpu.enqueue_indirect_dma source(%arg6 : memref<64x128xf32, #tpu.memory_space<vmem>>) target(%dma_start3A_676 : memref<10240x128xf32, #tpu.memory_space<vmem_shared>>) offsets(%dma_start3A_673 : memref<64xi32, #tpu.memory_space<vmem>>) semaphore(%arg15 : memref<!tpu.dma_semaphore, #tpu.memory_space<semaphore_mem>>) {add = true}
      %dma_wait3A_677 = arith.constant 0 : i32
      %dma_wait3A_678 = arith.constant 0 : i32
      %dma_wait3A_679 = tpu.memref_slice %arg5[%dma_wait3A_677, %dma_wait3A_678] : memref<2x5120xi32, #tpu.memory_space<vmem>> -> memref<1x64xi32, #tpu.memory_space<vmem>>
      %dma_wait3A_680 = tpu.memref_squeeze %dma_wait3A_679 : memref<1x64xi32, #tpu.memory_space<vmem>> -> memref<64xi32, #tpu.memory_space<vmem>>
      %dma_wait3A_681 = arith.constant 0 : i32
      %dma_wait3A_682 = arith.constant 0 : i32
      %dma_wait3A_683 = tpu.memref_slice %arg2[%dma_wait3A_681, %dma_wait3A_682] : memref<10000x128xf32, #tpu.memory_space<hbm>> -> memref<10000x128xf32, #tpu.memory_space<hbm>>
      tpu.wait_indirect_dma semaphore(%arg12 : memref<!tpu.dma_semaphore, #tpu.memory_space<semaphore_mem>>) src(%dma_wait3A_683 : memref<10000x128xf32, #tpu.memory_space<hbm>>) dst(%arg7 : memref<64x128xf32, #tpu.memory_space<vmem>>)
      %dma_wait3A_684 = arith.constant 1 : i32
      %dma_wait3A_685 = arith.constant 0 : i32
      %dma_wait3A_686 = tpu.memref_slice %arg5[%dma_wait3A_684, %dma_wait3A_685] : memref<2x5120xi32, #tpu.memory_space<vmem>> -> memref<1x64xi32, #tpu.memory_space<vmem>>
      %dma_wait3A_687 = tpu.memref_squeeze %dma_wait3A_686 : memref<1x64xi32, #tpu.memory_space<vmem>> -> memref<64xi32, #tpu.memory_space<vmem>>
      %dma_wait3A_688 = arith.constant 0 : i32
      %dma_wait3A_689 = arith.constant 0 : i32
      %dma_wait3A_690 = tpu.memref_slice %arg10[%dma_wait3A_688, %dma_wait3A_689] : memref<10240x128xf32, #tpu.memory_space<vmem_shared>> -> memref<10240x128xf32, #tpu.memory_space<vmem_shared>>
      tpu.wait_indirect_dma semaphore(%arg15 : memref<!tpu.dma_semaphore, #tpu.memory_space<semaphore_mem>>) src(%arg6 : memref<64x128xf32, #tpu.memory_space<vmem>>) dst(%dma_wait3A_690 : memref<10240x128xf32, #tpu.memory_space<vmem_shared>>)
      %add3A_691 = arith.constant 1 : i32
      %add3A_692 = arith.addi %add3A_640, %add3A_691 : i32
      %add3A_693 = arith.constant 3 : i32
      %add3A_694 = arith.addi %add3A_692, %add3A_693 : i32
      %mul3A_695 = arith.constant 64 : i32
      %mul3A_696 = arith.muli %add3A_694, %mul3A_695 : i32
      %dma_start3A_697 = arith.constant 0 : i32
      %dma_start3A_698 = tpu.memref_slice %arg5[%dma_start3A_697, %mul3A_696] : memref<2x5120xi32, #tpu.memory_space<vmem>> -> memref<1x64xi32, #tpu.memory_space<vmem>>
      %dma_start3A_699 = tpu.memref_squeeze %dma_start3A_698 : memref<1x64xi32, #tpu.memory_space<vmem>> -> memref<64xi32, #tpu.memory_space<vmem>>
      %dma_start3A_700 = arith.constant 0 : i32
      %dma_start3A_701 = arith.constant 0 : i32
      %dma_start3A_702 = tpu.memref_slice %arg2[%dma_start3A_700, %dma_start3A_701] : memref<10000x128xf32, #tpu.memory_space<hbm>> -> memref<10000x128xf32, #tpu.memory_space<hbm>>
      tpu.enqueue_indirect_dma source(%dma_start3A_702 : memref<10000x128xf32, #tpu.memory_space<hbm>>) target(%arg6 : memref<64x128xf32, #tpu.memory_space<vmem>>) offsets(%dma_start3A_699 : memref<64xi32, #tpu.memory_space<vmem>>) semaphore(%arg11 : memref<!tpu.dma_semaphore, #tpu.memory_space<semaphore_mem>>)
      %add3A_703 = arith.constant 1 : i32
      %add3A_704 = arith.addi %add3A_640, %add3A_703 : i32
      %mul3A_705 = arith.constant 64 : i32
      %mul3A_706 = arith.muli %add3A_704, %mul3A_705 : i32
      %dma_start3A_707 = arith.constant 1 : i32
      %dma_start3A_708 = tpu.memref_slice %arg5[%dma_start3A_707, %mul3A_706] : memref<2x5120xi32, #tpu.memory_space<vmem>> -> memref<1x64xi32, #tpu.memory_space<vmem>>
      %dma_start3A_709 = tpu.memref_squeeze %dma_start3A_708 : memref<1x64xi32, #tpu.memory_space<vmem>> -> memref<64xi32, #tpu.memory_space<vmem>>
      %dma_start3A_710 = arith.constant 0 : i32
      %dma_start3A_711 = arith.constant 0 : i32
      %dma_start3A_712 = tpu.memref_slice %arg10[%dma_start3A_710, %dma_start3A_711] : memref<10240x128xf32, #tpu.memory_space<vmem_shared>> -> memref<10240x128xf32, #tpu.memory_space<vmem_shared>>
      tpu.enqueue_indirect_dma source(%arg7 : memref<64x128xf32, #tpu.memory_space<vmem>>) target(%dma_start3A_712 : memref<10240x128xf32, #tpu.memory_space<vmem_shared>>) offsets(%dma_start3A_709 : memref<64xi32, #tpu.memory_space<vmem>>) semaphore(%arg16 : memref<!tpu.dma_semaphore, #tpu.memory_space<semaphore_mem>>) {add = true}
      %dma_wait3A_713 = arith.constant 0 : i32
      %dma_wait3A_714 = arith.constant 0 : i32
      %dma_wait3A_715 = tpu.memref_slice %arg5[%dma_wait3A_713, %dma_wait3A_714] : memref<2x5120xi32, #tpu.memory_space<vmem>> -> memref<1x64xi32, #tpu.memory_space<vmem>>
      %dma_wait3A_716 = tpu.memref_squeeze %dma_wait3A_715 : memref<1x64xi32, #tpu.memory_space<vmem>> -> memref<64xi32, #tpu.memory_space<vmem>>
      %dma_wait3A_717 = arith.constant 0 : i32
      %dma_wait3A_718 = arith.constant 0 : i32
      %dma_wait3A_719 = tpu.memref_slice %arg2[%dma_wait3A_717, %dma_wait3A_718] : memref<10000x128xf32, #tpu.memory_space<hbm>> -> memref<10000x128xf32, #tpu.memory_space<hbm>>
      tpu.wait_indirect_dma semaphore(%arg13 : memref<!tpu.dma_semaphore, #tpu.memory_space<semaphore_mem>>) src(%dma_wait3A_719 : memref<10000x128xf32, #tpu.memory_space<hbm>>) dst(%arg8 : memref<64x128xf32, #tpu.memory_space<vmem>>)
      %dma_wait3A_720 = arith.constant 1 : i32
      %dma_wait3A_721 = arith.constant 0 : i32
      %dma_wait3A_722 = tpu.memref_slice %arg5[%dma_wait3A_720, %dma_wait3A_721] : memref<2x5120xi32, #tpu.memory_space<vmem>> -> memref<1x64xi32, #tpu.memory_space<vmem>>
      %dma_wait3A_723 = tpu.memref_squeeze %dma_wait3A_722 : memref<1x64xi32, #tpu.memory_space<vmem>> -> memref<64xi32, #tpu.memory_space<vmem>>
      %dma_wait3A_724 = arith.constant 0 : i32
      %dma_wait3A_725 = arith.constant 0 : i32
      %dma_wait3A_726 = tpu.memref_slice %arg10[%dma_wait3A_724, %dma_wait3A_725] : memref<10240x128xf32, #tpu.memory_space<vmem_shared>> -> memref<10240x128xf32, #tpu.memory_space<vmem_shared>>
      tpu.wait_indirect_dma semaphore(%arg16 : memref<!tpu.dma_semaphore, #tpu.memory_space<semaphore_mem>>) src(%arg7 : memref<64x128xf32, #tpu.memory_space<vmem>>) dst(%dma_wait3A_726 : memref<10240x128xf32, #tpu.memory_space<vmem_shared>>)
      %add3A_727 = arith.constant 2 : i32
      %add3A_728 = arith.addi %add3A_640, %add3A_727 : i32
      %add3A_729 = arith.constant 3 : i32
      %add3A_730 = arith.addi %add3A_728, %add3A_729 : i32
      %mul3A_731 = arith.constant 64 : i32
      %mul3A_732 = arith.muli %add3A_730, %mul3A_731 : i32
      %dma_start3A_733 = arith.constant 0 : i32
      %dma_start3A_734 = tpu.memref_slice %arg5[%dma_start3A_733, %mul3A_732] : memref<2x5120xi32, #tpu.memory_space<vmem>> -> memref<1x64xi32, #tpu.memory_space<vmem>>
      %dma_start3A_735 = tpu.memref_squeeze %dma_start3A_734 : memref<1x64xi32, #tpu.memory_space<vmem>> -> memref<64xi32, #tpu.memory_space<vmem>>
      %dma_start3A_736 = arith.constant 0 : i32
      %dma_start3A_737 = arith.constant 0 : i32
      %dma_start3A_738 = tpu.memref_slice %arg2[%dma_start3A_736, %dma_start3A_737] : memref<10000x128xf32, #tpu.memory_space<hbm>> -> memref<10000x128xf32, #tpu.memory_space<hbm>>
      tpu.enqueue_indirect_dma source(%dma_start3A_738 : memref<10000x128xf32, #tpu.memory_space<hbm>>) target(%arg7 : memref<64x128xf32, #tpu.memory_space<vmem>>) offsets(%dma_start3A_735 : memref<64xi32, #tpu.memory_space<vmem>>) semaphore(%arg12 : memref<!tpu.dma_semaphore, #tpu.memory_space<semaphore_mem>>)
      %add3A_739 = arith.constant 2 : i32
      %add3A_740 = arith.addi %add3A_640, %add3A_739 : i32
      %mul3A_741 = arith.constant 64 : i32
      %mul3A_742 = arith.muli %add3A_740, %mul3A_741 : i32
      %dma_start3A_743 = arith.constant 1 : i32
      %dma_start3A_744 = tpu.memref_slice %arg5[%dma_start3A_743, %mul3A_742] : memref<2x5120xi32, #tpu.memory_space<vmem>> -> memref<1x64xi32, #tpu.memory_space<vmem>>
      %dma_start3A_745 = tpu.memref_squeeze %dma_start3A_744 : memref<1x64xi32, #tpu.memory_space<vmem>> -> memref<64xi32, #tpu.memory_space<vmem>>
      %dma_start3A_746 = arith.constant 0 : i32
      %dma_start3A_747 = arith.constant 0 : i32
      %dma_start3A_748 = tpu.memref_slice %arg10[%dma_start3A_746, %dma_start3A_747] : memref<10240x128xf32, #tpu.memory_space<vmem_shared>> -> memref<10240x128xf32, #tpu.memory_space<vmem_shared>>
      tpu.enqueue_indirect_dma source(%arg8 : memref<64x128xf32, #tpu.memory_space<vmem>>) target(%dma_start3A_748 : memref<10240x128xf32, #tpu.memory_space<vmem_shared>>) offsets(%dma_start3A_745 : memref<64xi32, #tpu.memory_space<vmem>>) semaphore(%arg17 : memref<!tpu.dma_semaphore, #tpu.memory_space<semaphore_mem>>) {add = true}
      %dma_wait3A_749 = arith.constant 0 : i32
      %dma_wait3A_750 = arith.constant 0 : i32
      %dma_wait3A_751 = tpu.memref_slice %arg5[%dma_wait3A_749, %dma_wait3A_750] : memref<2x5120xi32, #tpu.memory_space<vmem>> -> memref<1x64xi32, #tpu.memory_space<vmem>>
      %dma_wait3A_752 = tpu.memref_squeeze %dma_wait3A_751 : memref<1x64xi32, #tpu.memory_space<vmem>> -> memref<64xi32, #tpu.memory_space<vmem>>
      %dma_wait3A_753 = arith.constant 0 : i32
      %dma_wait3A_754 = arith.constant 0 : i32
      %dma_wait3A_755 = tpu.memref_slice %arg2[%dma_wait3A_753, %dma_wait3A_754] : memref<10000x128xf32, #tpu.memory_space<hbm>> -> memref<10000x128xf32, #tpu.memory_space<hbm>>
      tpu.wait_indirect_dma semaphore(%arg14 : memref<!tpu.dma_semaphore, #tpu.memory_space<semaphore_mem>>) src(%dma_wait3A_755 : memref<10000x128xf32, #tpu.memory_space<hbm>>) dst(%arg9 : memref<64x128xf32, #tpu.memory_space<vmem>>)
      %dma_wait3A_756 = arith.constant 1 : i32
      %dma_wait3A_757 = arith.constant 0 : i32
      %dma_wait3A_758 = tpu.memref_slice %arg5[%dma_wait3A_756, %dma_wait3A_757] : memref<2x5120xi32, #tpu.memory_space<vmem>> -> memref<1x64xi32, #tpu.memory_space<vmem>>
      %dma_wait3A_759 = tpu.memref_squeeze %dma_wait3A_758 : memref<1x64xi32, #tpu.memory_space<vmem>> -> memref<64xi32, #tpu.memory_space<vmem>>
      %dma_wait3A_760 = arith.constant 0 : i32
      %dma_wait3A_761 = arith.constant 0 : i32
      %dma_wait3A_762 = tpu.memref_slice %arg10[%dma_wait3A_760, %dma_wait3A_761] : memref<10240x128xf32, #tpu.memory_space<vmem_shared>> -> memref<10240x128xf32, #tpu.memory_space<vmem_shared>>
      tpu.wait_indirect_dma semaphore(%arg17 : memref<!tpu.dma_semaphore, #tpu.memory_space<semaphore_mem>>) src(%arg8 : memref<64x128xf32, #tpu.memory_space<vmem>>) dst(%dma_wait3A_762 : memref<10240x128xf32, #tpu.memory_space<vmem_shared>>)
      %add3A_763 = arith.constant 3 : i32
      %add3A_764 = arith.addi %add3A_640, %add3A_763 : i32
      %add3A_765 = arith.constant 3 : i32
      %add3A_766 = arith.addi %add3A_764, %add3A_765 : i32
      %mul3A_767 = arith.constant 64 : i32
      %mul3A_768 = arith.muli %add3A_766, %mul3A_767 : i32
      %dma_start3A_769 = arith.constant 0 : i32
      %dma_start3A_770 = tpu.memref_slice %arg5[%dma_start3A_769, %mul3A_768] : memref<2x5120xi32, #tpu.memory_space<vmem>> -> memref<1x64xi32, #tpu.memory_space<vmem>>
      %dma_start3A_771 = tpu.memref_squeeze %dma_start3A_770 : memref<1x64xi32, #tpu.memory_space<vmem>> -> memref<64xi32, #tpu.memory_space<vmem>>
      %dma_start3A_772 = arith.constant 0 : i32
      %dma_start3A_773 = arith.constant 0 : i32
      %dma_start3A_774 = tpu.memref_slice %arg2[%dma_start3A_772, %dma_start3A_773] : memref<10000x128xf32, #tpu.memory_space<hbm>> -> memref<10000x128xf32, #tpu.memory_space<hbm>>
      tpu.enqueue_indirect_dma source(%dma_start3A_774 : memref<10000x128xf32, #tpu.memory_space<hbm>>) target(%arg8 : memref<64x128xf32, #tpu.memory_space<vmem>>) offsets(%dma_start3A_771 : memref<64xi32, #tpu.memory_space<vmem>>) semaphore(%arg13 : memref<!tpu.dma_semaphore, #tpu.memory_space<semaphore_mem>>)
      %add3A_775 = arith.constant 3 : i32
      %add3A_776 = arith.addi %add3A_640, %add3A_775 : i32
      %mul3A_777 = arith.constant 64 : i32
      %mul3A_778 = arith.muli %add3A_776, %mul3A_777 : i32
      %dma_start3A_779 = arith.constant 1 : i32
      %dma_start3A_780 = tpu.memref_slice %arg5[%dma_start3A_779, %mul3A_778] : memref<2x5120xi32, #tpu.memory_space<vmem>> -> memref<1x64xi32, #tpu.memory_space<vmem>>
      %dma_start3A_781 = tpu.memref_squeeze %dma_start3A_780 : memref<1x64xi32, #tpu.memory_space<vmem>> -> memref<64xi32, #tpu.memory_space<vmem>>
      %dma_start3A_782 = arith.constant 0 : i32
      %dma_start3A_783 = arith.constant 0 : i32
      %dma_start3A_784 = tpu.memref_slice %arg10[%dma_start3A_782, %dma_start3A_783] : memref<10240x128xf32, #tpu.memory_space<vmem_shared>> -> memref<10240x128xf32, #tpu.memory_space<vmem_shared>>
      tpu.enqueue_indirect_dma source(%arg9 : memref<64x128xf32, #tpu.memory_space<vmem>>) target(%dma_start3A_784 : memref<10240x128xf32, #tpu.memory_space<vmem_shared>>) offsets(%dma_start3A_781 : memref<64xi32, #tpu.memory_space<vmem>>) semaphore(%arg18 : memref<!tpu.dma_semaphore, #tpu.memory_space<semaphore_mem>>) {add = true}
    }
    %scan3A_296 = arith.constant 18 : i32
    %dma_wait3A_297 = arith.constant 0 : i32
    %dma_wait3A_298 = arith.constant 0 : i32
    %dma_wait3A_299 = tpu.memref_slice %arg5[%dma_wait3A_297, %dma_wait3A_298] : memref<2x5120xi32, #tpu.memory_space<vmem>> -> memref<1x64xi32, #tpu.memory_space<vmem>>
    %dma_wait3A_300 = tpu.memref_squeeze %dma_wait3A_299 : memref<1x64xi32, #tpu.memory_space<vmem>> -> memref<64xi32, #tpu.memory_space<vmem>>
    %dma_wait3A_301 = arith.constant 0 : i32
    %dma_wait3A_302 = arith.constant 0 : i32
    %dma_wait3A_303 = tpu.memref_slice %arg2[%dma_wait3A_301, %dma_wait3A_302] : memref<10000x128xf32, #tpu.memory_space<hbm>> -> memref<10000x128xf32, #tpu.memory_space<hbm>>
    tpu.wait_indirect_dma semaphore(%arg11 : memref<!tpu.dma_semaphore, #tpu.memory_space<semaphore_mem>>) src(%dma_wait3A_303 : memref<10000x128xf32, #tpu.memory_space<hbm>>) dst(%arg6 : memref<64x128xf32, #tpu.memory_space<vmem>>)
    %dma_wait3A_304 = arith.constant 1 : i32
    %dma_wait3A_305 = arith.constant 0 : i32
    %dma_wait3A_306 = tpu.memref_slice %arg5[%dma_wait3A_304, %dma_wait3A_305] : memref<2x5120xi32, #tpu.memory_space<vmem>> -> memref<1x64xi32, #tpu.memory_space<vmem>>
    %dma_wait3A_307 = tpu.memref_squeeze %dma_wait3A_306 : memref<1x64xi32, #tpu.memory_space<vmem>> -> memref<64xi32, #tpu.memory_space<vmem>>
    %dma_wait3A_308 = arith.constant 0 : i32
    %dma_wait3A_309 = arith.constant 0 : i32
    %dma_wait3A_310 = tpu.memref_slice %arg10[%dma_wait3A_308, %dma_wait3A_309] : memref<10240x128xf32, #tpu.memory_space<vmem_shared>> -> memref<10240x128xf32, #tpu.memory_space<vmem_shared>>
    tpu.wait_indirect_dma semaphore(%arg18 : memref<!tpu.dma_semaphore, #tpu.memory_space<semaphore_mem>>) src(%arg9 : memref<64x128xf32, #tpu.memory_space<vmem>>) dst(%dma_wait3A_310 : memref<10240x128xf32, #tpu.memory_space<vmem_shared>>)
    %dma_start3A_311 = arith.constant 0 : i32
    %dma_start3A_312 = arith.constant 5056 : i32
    %dma_start3A_313 = tpu.memref_slice %arg5[%dma_start3A_311, %dma_start3A_312] : memref<2x5120xi32, #tpu.memory_space<vmem>> -> memref<1x64xi32, #tpu.memory_space<vmem>>
    %dma_start3A_314 = tpu.memref_squeeze %dma_start3A_313 : memref<1x64xi32, #tpu.memory_space<vmem>> -> memref<64xi32, #tpu.memory_space<vmem>>
    %dma_start3A_315 = arith.constant 0 : i32
    %dma_start3A_316 = arith.constant 0 : i32
    %dma_start3A_317 = tpu.memref_slice %arg2[%dma_start3A_315, %dma_start3A_316] : memref<10000x128xf32, #tpu.memory_space<hbm>> -> memref<10000x128xf32, #tpu.memory_space<hbm>>
    tpu.enqueue_indirect_dma source(%dma_start3A_317 : memref<10000x128xf32, #tpu.memory_space<hbm>>) target(%arg9 : memref<64x128xf32, #tpu.memory_space<vmem>>) offsets(%dma_start3A_314 : memref<64xi32, #tpu.memory_space<vmem>>) semaphore(%arg14 : memref<!tpu.dma_semaphore, #tpu.memory_space<semaphore_mem>>)
    %dma_start3A_318 = arith.constant 1 : i32
    %dma_start3A_319 = arith.constant 4864 : i32
    %dma_start3A_320 = tpu.memref_slice %arg5[%dma_start3A_318, %dma_start3A_319] : memref<2x5120xi32, #tpu.memory_space<vmem>> -> memref<1x64xi32, #tpu.memory_space<vmem>>
    %dma_start3A_321 = tpu.memref_squeeze %dma_start3A_320 : memref<1x64xi32, #tpu.memory_space<vmem>> -> memref<64xi32, #tpu.memory_space<vmem>>
    %dma_start3A_322 = arith.constant 0 : i32
    %dma_start3A_323 = arith.constant 0 : i32
    %dma_start3A_324 = tpu.memref_slice %arg10[%dma_start3A_322, %dma_start3A_323] : memref<10240x128xf32, #tpu.memory_space<vmem_shared>> -> memref<10240x128xf32, #tpu.memory_space<vmem_shared>>
    tpu.enqueue_indirect_dma source(%arg6 : memref<64x128xf32, #tpu.memory_space<vmem>>) target(%dma_start3A_324 : memref<10240x128xf32, #tpu.memory_space<vmem_shared>>) offsets(%dma_start3A_321 : memref<64xi32, #tpu.memory_space<vmem>>) semaphore(%arg15 : memref<!tpu.dma_semaphore, #tpu.memory_space<semaphore_mem>>) {add = true}
    %dma_wait3A_325 = arith.constant 0 : i32
    %dma_wait3A_326 = arith.constant 0 : i32
    %dma_wait3A_327 = tpu.memref_slice %arg5[%dma_wait3A_325, %dma_wait3A_326] : memref<2x5120xi32, #tpu.memory_space<vmem>> -> memref<1x64xi32, #tpu.memory_space<vmem>>
    %dma_wait3A_328 = tpu.memref_squeeze %dma_wait3A_327 : memref<1x64xi32, #tpu.memory_space<vmem>> -> memref<64xi32, #tpu.memory_space<vmem>>
    %dma_wait3A_329 = arith.constant 0 : i32
    %dma_wait3A_330 = arith.constant 0 : i32
    %dma_wait3A_331 = tpu.memref_slice %arg2[%dma_wait3A_329, %dma_wait3A_330] : memref<10000x128xf32, #tpu.memory_space<hbm>> -> memref<10000x128xf32, #tpu.memory_space<hbm>>
    tpu.wait_indirect_dma semaphore(%arg12 : memref<!tpu.dma_semaphore, #tpu.memory_space<semaphore_mem>>) src(%dma_wait3A_331 : memref<10000x128xf32, #tpu.memory_space<hbm>>) dst(%arg7 : memref<64x128xf32, #tpu.memory_space<vmem>>)
    %dma_wait3A_332 = arith.constant 1 : i32
    %dma_wait3A_333 = arith.constant 0 : i32
    %dma_wait3A_334 = tpu.memref_slice %arg5[%dma_wait3A_332, %dma_wait3A_333] : memref<2x5120xi32, #tpu.memory_space<vmem>> -> memref<1x64xi32, #tpu.memory_space<vmem>>
    %dma_wait3A_335 = tpu.memref_squeeze %dma_wait3A_334 : memref<1x64xi32, #tpu.memory_space<vmem>> -> memref<64xi32, #tpu.memory_space<vmem>>
    %dma_wait3A_336 = arith.constant 0 : i32
    %dma_wait3A_337 = arith.constant 0 : i32
    %dma_wait3A_338 = tpu.memref_slice %arg10[%dma_wait3A_336, %dma_wait3A_337] : memref<10240x128xf32, #tpu.memory_space<vmem_shared>> -> memref<10240x128xf32, #tpu.memory_space<vmem_shared>>
    tpu.wait_indirect_dma semaphore(%arg15 : memref<!tpu.dma_semaphore, #tpu.memory_space<semaphore_mem>>) src(%arg6 : memref<64x128xf32, #tpu.memory_space<vmem>>) dst(%dma_wait3A_338 : memref<10240x128xf32, #tpu.memory_space<vmem_shared>>)
    %dma_start3A_339 = arith.constant 1 : i32
    %dma_start3A_340 = arith.constant 4928 : i32
    %dma_start3A_341 = tpu.memref_slice %arg5[%dma_start3A_339, %dma_start3A_340] : memref<2x5120xi32, #tpu.memory_space<vmem>> -> memref<1x64xi32, #tpu.memory_space<vmem>>
    %dma_start3A_342 = tpu.memref_squeeze %dma_start3A_341 : memref<1x64xi32, #tpu.memory_space<vmem>> -> memref<64xi32, #tpu.memory_space<vmem>>
    %dma_start3A_343 = arith.constant 0 : i32
    %dma_start3A_344 = arith.constant 0 : i32
    %dma_start3A_345 = tpu.memref_slice %arg10[%dma_start3A_343, %dma_start3A_344] : memref<10240x128xf32, #tpu.memory_space<vmem_shared>> -> memref<10240x128xf32, #tpu.memory_space<vmem_shared>>
    tpu.enqueue_indirect_dma source(%arg7 : memref<64x128xf32, #tpu.memory_space<vmem>>) target(%dma_start3A_345 : memref<10240x128xf32, #tpu.memory_space<vmem_shared>>) offsets(%dma_start3A_342 : memref<64xi32, #tpu.memory_space<vmem>>) semaphore(%arg16 : memref<!tpu.dma_semaphore, #tpu.memory_space<semaphore_mem>>) {add = true}
    %dma_wait3A_346 = arith.constant 0 : i32
    %dma_wait3A_347 = arith.constant 0 : i32
    %dma_wait3A_348 = tpu.memref_slice %arg5[%dma_wait3A_346, %dma_wait3A_347] : memref<2x5120xi32, #tpu.memory_space<vmem>> -> memref<1x64xi32, #tpu.memory_space<vmem>>
    %dma_wait3A_349 = tpu.memref_squeeze %dma_wait3A_348 : memref<1x64xi32, #tpu.memory_space<vmem>> -> memref<64xi32, #tpu.memory_space<vmem>>
    %dma_wait3A_350 = arith.constant 0 : i32
    %dma_wait3A_351 = arith.constant 0 : i32
    %dma_wait3A_352 = tpu.memref_slice %arg2[%dma_wait3A_350, %dma_wait3A_351] : memref<10000x128xf32, #tpu.memory_space<hbm>> -> memref<10000x128xf32, #tpu.memory_space<hbm>>
    tpu.wait_indirect_dma semaphore(%arg13 : memref<!tpu.dma_semaphore, #tpu.memory_space<semaphore_mem>>) src(%dma_wait3A_352 : memref<10000x128xf32, #tpu.memory_space<hbm>>) dst(%arg8 : memref<64x128xf32, #tpu.memory_space<vmem>>)
    %dma_wait3A_353 = arith.constant 1 : i32
    %dma_wait3A_354 = arith.constant 0 : i32
    %dma_wait3A_355 = tpu.memref_slice %arg5[%dma_wait3A_353, %dma_wait3A_354] : memref<2x5120xi32, #tpu.memory_space<vmem>> -> memref<1x64xi32, #tpu.memory_space<vmem>>
    %dma_wait3A_356 = tpu.memref_squeeze %dma_wait3A_355 : memref<1x64xi32, #tpu.memory_space<vmem>> -> memref<64xi32, #tpu.memory_space<vmem>>
    %dma_wait3A_357 = arith.constant 0 : i32
    %dma_wait3A_358 = arith.constant 0 : i32
    %dma_wait3A_359 = tpu.memref_slice %arg10[%dma_wait3A_357, %dma_wait3A_358] : memref<10240x128xf32, #tpu.memory_space<vmem_shared>> -> memref<10240x128xf32, #tpu.memory_space<vmem_shared>>
    tpu.wait_indirect_dma semaphore(%arg16 : memref<!tpu.dma_semaphore, #tpu.memory_space<semaphore_mem>>) src(%arg7 : memref<64x128xf32, #tpu.memory_space<vmem>>) dst(%dma_wait3A_359 : memref<10240x128xf32, #tpu.memory_space<vmem_shared>>)
    %dma_start3A_360 = arith.constant 1 : i32
    %dma_start3A_361 = arith.constant 4992 : i32
    %dma_start3A_362 = tpu.memref_slice %arg5[%dma_start3A_360, %dma_start3A_361] : memref<2x5120xi32, #tpu.memory_space<vmem>> -> memref<1x64xi32, #tpu.memory_space<vmem>>
    %dma_start3A_363 = tpu.memref_squeeze %dma_start3A_362 : memref<1x64xi32, #tpu.memory_space<vmem>> -> memref<64xi32, #tpu.memory_space<vmem>>
    %dma_start3A_364 = arith.constant 0 : i32
    %dma_start3A_365 = arith.constant 0 : i32
    %dma_start3A_366 = tpu.memref_slice %arg10[%dma_start3A_364, %dma_start3A_365] : memref<10240x128xf32, #tpu.memory_space<vmem_shared>> -> memref<10240x128xf32, #tpu.memory_space<vmem_shared>>
    tpu.enqueue_indirect_dma source(%arg8 : memref<64x128xf32, #tpu.memory_space<vmem>>) target(%dma_start3A_366 : memref<10240x128xf32, #tpu.memory_space<vmem_shared>>) offsets(%dma_start3A_363 : memref<64xi32, #tpu.memory_space<vmem>>) semaphore(%arg17 : memref<!tpu.dma_semaphore, #tpu.memory_space<semaphore_mem>>) {add = true}
    %dma_wait3A_367 = arith.constant 0 : i32
    %dma_wait3A_368 = arith.constant 0 : i32
    %dma_wait3A_369 = tpu.memref_slice %arg5[%dma_wait3A_367, %dma_wait3A_368] : memref<2x5120xi32, #tpu.memory_space<vmem>> -> memref<1x64xi32, #tpu.memory_space<vmem>>
    %dma_wait3A_370 = tpu.memref_squeeze %dma_wait3A_369 : memref<1x64xi32, #tpu.memory_space<vmem>> -> memref<64xi32, #tpu.memory_space<vmem>>
    %dma_wait3A_371 = arith.constant 0 : i32
    %dma_wait3A_372 = arith.constant 0 : i32
    %dma_wait3A_373 = tpu.memref_slice %arg2[%dma_wait3A_371, %dma_wait3A_372] : memref<10000x128xf32, #tpu.memory_space<hbm>> -> memref<10000x128xf32, #tpu.memory_space<hbm>>
    tpu.wait_indirect_dma semaphore(%arg14 : memref<!tpu.dma_semaphore, #tpu.memory_space<semaphore_mem>>) src(%dma_wait3A_373 : memref<10000x128xf32, #tpu.memory_space<hbm>>) dst(%arg9 : memref<64x128xf32, #tpu.memory_space<vmem>>)
    %dma_wait3A_374 = arith.constant 1 : i32
    %dma_wait3A_375 = arith.constant 0 : i32
    %dma_wait3A_376 = tpu.memref_slice %arg5[%dma_wait3A_374, %dma_wait3A_375] : memref<2x5120xi32, #tpu.memory_space<vmem>> -> memref<1x64xi32, #tpu.memory_space<vmem>>
    %dma_wait3A_377 = tpu.memref_squeeze %dma_wait3A_376 : memref<1x64xi32, #tpu.memory_space<vmem>> -> memref<64xi32, #tpu.memory_space<vmem>>
    %dma_wait3A_378 = arith.constant 0 : i32
    %dma_wait3A_379 = arith.constant 0 : i32
    %dma_wait3A_380 = tpu.memref_slice %arg10[%dma_wait3A_378, %dma_wait3A_379] : memref<10240x128xf32, #tpu.memory_space<vmem_shared>> -> memref<10240x128xf32, #tpu.memory_space<vmem_shared>>
    tpu.wait_indirect_dma semaphore(%arg17 : memref<!tpu.dma_semaphore, #tpu.memory_space<semaphore_mem>>) src(%arg8 : memref<64x128xf32, #tpu.memory_space<vmem>>) dst(%dma_wait3A_380 : memref<10240x128xf32, #tpu.memory_space<vmem_shared>>)
    %dma_start3A_381 = arith.constant 1 : i32
    %dma_start3A_382 = arith.constant 5056 : i32
    %dma_start3A_383 = tpu.memref_slice %arg5[%dma_start3A_381, %dma_start3A_382] : memref<2x5120xi32, #tpu.memory_space<vmem>> -> memref<1x64xi32, #tpu.memory_space<vmem>>
    %dma_start3A_384 = tpu.memref_squeeze %dma_start3A_383 : memref<1x64xi32, #tpu.memory_space<vmem>> -> memref<64xi32, #tpu.memory_space<vmem>>
    %dma_start3A_385 = arith.constant 0 : i32
    %dma_start3A_386 = arith.constant 0 : i32
    %dma_start3A_387 = tpu.memref_slice %arg10[%dma_start3A_385, %dma_start3A_386] : memref<10240x128xf32, #tpu.memory_space<vmem_shared>> -> memref<10240x128xf32, #tpu.memory_space<vmem_shared>>
    tpu.enqueue_indirect_dma source(%arg9 : memref<64x128xf32, #tpu.memory_space<vmem>>) target(%dma_start3A_387 : memref<10240x128xf32, #tpu.memory_space<vmem_shared>>) offsets(%dma_start3A_384 : memref<64xi32, #tpu.memory_space<vmem>>) semaphore(%arg18 : memref<!tpu.dma_semaphore, #tpu.memory_space<semaphore_mem>>) {add = true}
    %dma_wait3A_388 = arith.constant 1 : i32
    %dma_wait3A_389 = arith.constant 0 : i32
    %dma_wait3A_390 = tpu.memref_slice %arg5[%dma_wait3A_388, %dma_wait3A_389] : memref<2x5120xi32, #tpu.memory_space<vmem>> -> memref<1x64xi32, #tpu.memory_space<vmem>>
    %dma_wait3A_391 = tpu.memref_squeeze %dma_wait3A_390 : memref<1x64xi32, #tpu.memory_space<vmem>> -> memref<64xi32, #tpu.memory_space<vmem>>
    %dma_wait3A_392 = arith.constant 0 : i32
    %dma_wait3A_393 = arith.constant 0 : i32
    %dma_wait3A_394 = tpu.memref_slice %arg10[%dma_wait3A_392, %dma_wait3A_393] : memref<10240x128xf32, #tpu.memory_space<vmem_shared>> -> memref<10240x128xf32, #tpu.memory_space<vmem_shared>>
    tpu.wait_indirect_dma semaphore(%arg18 : memref<!tpu.dma_semaphore, #tpu.memory_space<semaphore_mem>>) src(%arg9 : memref<64x128xf32, #tpu.memory_space<vmem>>) dst(%dma_wait3A_394 : memref<10240x128xf32, #tpu.memory_space<vmem_shared>>)
    %add3A_395 = arith.constant 5120 : i32
    %add3A_396 = arith.addi %mul3A_2, %add3A_395 : i32
    "tpu.region"() ({
      %run_scoped3A = tpu.sem_alloc : memref<!tpu.dma_semaphore, #tpu.memory_space<semaphore_mem>>
      %dma_start3A_636 = arith.constant 0 : i32
      %dma_start3A_637 = arith.constant 0 : i32
      %dma_start3A_638 = tpu.memref_slice %arg5[%dma_start3A_636, %dma_start3A_637] : memref<2x5120xi32, #tpu.memory_space<vmem>> -> memref<2x4864xi32, #tpu.memory_space<vmem>>
      %dma_start3A_639 = arith.constant 0 : i32
      %dma_start3A_640 = tpu.memref_slice %arg3[%dma_start3A_639, %add3A_396] : memref<2x320000xi32, #tpu.memory_space<hbm>> -> memref<2x4864xi32, #tpu.memory_space<hbm>>
      %dma_start3A_641 = arith.constant 0 : i32
      %dma_start3A_642 = arith.constant 0 : i32
      %dma_start3A_643 = tpu.memref_slice %arg5[%dma_start3A_641, %dma_start3A_642] : memref<2x5120xi32, #tpu.memory_space<vmem>> -> memref<2x4864xi32, #tpu.memory_space<vmem>>
      %dma_start3A_644 = arith.constant 0 : i32
      %dma_start3A_645 = tpu.memref_slice %arg3[%dma_start3A_644, %add3A_396] : memref<2x320000xi32, #tpu.memory_space<hbm>> -> memref<2x4864xi32, #tpu.memory_space<hbm>>
      tpu.enqueue_dma source(%dma_start3A_645 : memref<2x4864xi32, #tpu.memory_space<hbm>>) target(%dma_start3A_643 : memref<2x4864xi32, #tpu.memory_space<vmem>>) target_semaphore(%run_scoped3A : memref<!tpu.dma_semaphore, #tpu.memory_space<semaphore_mem>>)
      %dma_wait3A_646 = arith.constant 0 : i32
      %dma_wait3A_647 = arith.constant 0 : i32
      %dma_wait3A_648 = tpu.memref_slice %arg5[%dma_wait3A_646, %dma_wait3A_647] : memref<2x5120xi32, #tpu.memory_space<vmem>> -> memref<2x4864xi32, #tpu.memory_space<vmem>>
      %dma_wait3A_649 = arith.constant 0 : i32
      %dma_wait3A_650 = tpu.memref_slice %arg3[%dma_wait3A_649, %add3A_396] : memref<2x320000xi32, #tpu.memory_space<hbm>> -> memref<2x4864xi32, #tpu.memory_space<hbm>>
      %dma_wait3A_651 = arith.constant 0 : i32
      %dma_wait3A_652 = arith.constant 0 : i32
      %dma_wait3A_653 = tpu.memref_slice %arg5[%dma_wait3A_651, %dma_wait3A_652] : memref<2x5120xi32, #tpu.memory_space<vmem>> -> memref<2x4864xi32, #tpu.memory_space<vmem>>
      %dma_wait3A_654 = arith.constant 0 : i32
      %dma_wait3A_655 = tpu.memref_slice %arg3[%dma_wait3A_654, %add3A_396] : memref<2x320000xi32, #tpu.memory_space<hbm>> -> memref<2x4864xi32, #tpu.memory_space<hbm>>
      tpu.wait_dma2 semaphore(%run_scoped3A : memref<!tpu.dma_semaphore, #tpu.memory_space<semaphore_mem>>) src(%dma_wait3A_655 : memref<2x4864xi32, #tpu.memory_space<hbm>>) dst(%dma_wait3A_653 : memref<2x4864xi32, #tpu.memory_space<vmem>>)
      tpu.yield
    }) : () -> ()
    %dma_start3A_397 = arith.constant 0 : i32
    %dma_start3A_398 = arith.constant 0 : i32
    %dma_start3A_399 = tpu.memref_slice %arg5[%dma_start3A_397, %dma_start3A_398] : memref<2x5120xi32, #tpu.memory_space<vmem>> -> memref<1x64xi32, #tpu.memory_space<vmem>>
    %dma_start3A_400 = tpu.memref_squeeze %dma_start3A_399 : memref<1x64xi32, #tpu.memory_space<vmem>> -> memref<64xi32, #tpu.memory_space<vmem>>
    %dma_start3A_401 = arith.constant 0 : i32
    %dma_start3A_402 = arith.constant 0 : i32
    %dma_start3A_403 = tpu.memref_slice %arg2[%dma_start3A_401, %dma_start3A_402] : memref<10000x128xf32, #tpu.memory_space<hbm>> -> memref<10000x128xf32, #tpu.memory_space<hbm>>
    tpu.enqueue_indirect_dma source(%dma_start3A_403 : memref<10000x128xf32, #tpu.memory_space<hbm>>) target(%arg6 : memref<64x128xf32, #tpu.memory_space<vmem>>) offsets(%dma_start3A_400 : memref<64xi32, #tpu.memory_space<vmem>>) semaphore(%arg11 : memref<!tpu.dma_semaphore, #tpu.memory_space<semaphore_mem>>)
    %dma_start3A_404 = arith.constant 0 : i32
    %dma_start3A_405 = arith.constant 64 : i32
    %dma_start3A_406 = tpu.memref_slice %arg5[%dma_start3A_404, %dma_start3A_405] : memref<2x5120xi32, #tpu.memory_space<vmem>> -> memref<1x64xi32, #tpu.memory_space<vmem>>
    %dma_start3A_407 = tpu.memref_squeeze %dma_start3A_406 : memref<1x64xi32, #tpu.memory_space<vmem>> -> memref<64xi32, #tpu.memory_space<vmem>>
    %dma_start3A_408 = arith.constant 0 : i32
    %dma_start3A_409 = arith.constant 0 : i32
    %dma_start3A_410 = tpu.memref_slice %arg2[%dma_start3A_408, %dma_start3A_409] : memref<10000x128xf32, #tpu.memory_space<hbm>> -> memref<10000x128xf32, #tpu.memory_space<hbm>>
    tpu.enqueue_indirect_dma source(%dma_start3A_410 : memref<10000x128xf32, #tpu.memory_space<hbm>>) target(%arg7 : memref<64x128xf32, #tpu.memory_space<vmem>>) offsets(%dma_start3A_407 : memref<64xi32, #tpu.memory_space<vmem>>) semaphore(%arg12 : memref<!tpu.dma_semaphore, #tpu.memory_space<semaphore_mem>>)
    %dma_start3A_411 = arith.constant 0 : i32
    %dma_start3A_412 = arith.constant 128 : i32
    %dma_start3A_413 = tpu.memref_slice %arg5[%dma_start3A_411, %dma_start3A_412] : memref<2x5120xi32, #tpu.memory_space<vmem>> -> memref<1x64xi32, #tpu.memory_space<vmem>>
    %dma_start3A_414 = tpu.memref_squeeze %dma_start3A_413 : memref<1x64xi32, #tpu.memory_space<vmem>> -> memref<64xi32, #tpu.memory_space<vmem>>
    %dma_start3A_415 = arith.constant 0 : i32
    %dma_start3A_416 = arith.constant 0 : i32
    %dma_start3A_417 = tpu.memref_slice %arg2[%dma_start3A_415, %dma_start3A_416] : memref<10000x128xf32, #tpu.memory_space<hbm>> -> memref<10000x128xf32, #tpu.memory_space<hbm>>
    tpu.enqueue_indirect_dma source(%dma_start3A_417 : memref<10000x128xf32, #tpu.memory_space<hbm>>) target(%arg8 : memref<64x128xf32, #tpu.memory_space<vmem>>) offsets(%dma_start3A_414 : memref<64xi32, #tpu.memory_space<vmem>>) semaphore(%arg13 : memref<!tpu.dma_semaphore, #tpu.memory_space<semaphore_mem>>)
    %dma_wait3A_418 = arith.constant 0 : i32
    %dma_wait3A_419 = arith.constant 0 : i32
    %dma_wait3A_420 = tpu.memref_slice %arg5[%dma_wait3A_418, %dma_wait3A_419] : memref<2x5120xi32, #tpu.memory_space<vmem>> -> memref<1x64xi32, #tpu.memory_space<vmem>>
    %dma_wait3A_421 = tpu.memref_squeeze %dma_wait3A_420 : memref<1x64xi32, #tpu.memory_space<vmem>> -> memref<64xi32, #tpu.memory_space<vmem>>
    %dma_wait3A_422 = arith.constant 0 : i32
    %dma_wait3A_423 = arith.constant 0 : i32
    %dma_wait3A_424 = tpu.memref_slice %arg2[%dma_wait3A_422, %dma_wait3A_423] : memref<10000x128xf32, #tpu.memory_space<hbm>> -> memref<10000x128xf32, #tpu.memory_space<hbm>>
    tpu.wait_indirect_dma semaphore(%arg11 : memref<!tpu.dma_semaphore, #tpu.memory_space<semaphore_mem>>) src(%dma_wait3A_424 : memref<10000x128xf32, #tpu.memory_space<hbm>>) dst(%arg6 : memref<64x128xf32, #tpu.memory_space<vmem>>)
    %dma_start3A_425 = arith.constant 0 : i32
    %dma_start3A_426 = arith.constant 192 : i32
    %dma_start3A_427 = tpu.memref_slice %arg5[%dma_start3A_425, %dma_start3A_426] : memref<2x5120xi32, #tpu.memory_space<vmem>> -> memref<1x64xi32, #tpu.memory_space<vmem>>
    %dma_start3A_428 = tpu.memref_squeeze %dma_start3A_427 : memref<1x64xi32, #tpu.memory_space<vmem>> -> memref<64xi32, #tpu.memory_space<vmem>>
    %dma_start3A_429 = arith.constant 0 : i32
    %dma_start3A_430 = arith.constant 0 : i32
    %dma_start3A_431 = tpu.memref_slice %arg2[%dma_start3A_429, %dma_start3A_430] : memref<10000x128xf32, #tpu.memory_space<hbm>> -> memref<10000x128xf32, #tpu.memory_space<hbm>>
    tpu.enqueue_indirect_dma source(%dma_start3A_431 : memref<10000x128xf32, #tpu.memory_space<hbm>>) target(%arg9 : memref<64x128xf32, #tpu.memory_space<vmem>>) offsets(%dma_start3A_428 : memref<64xi32, #tpu.memory_space<vmem>>) semaphore(%arg14 : memref<!tpu.dma_semaphore, #tpu.memory_space<semaphore_mem>>)
    %dma_start3A_432 = arith.constant 1 : i32
    %dma_start3A_433 = arith.constant 0 : i32
    %dma_start3A_434 = tpu.memref_slice %arg5[%dma_start3A_432, %dma_start3A_433] : memref<2x5120xi32, #tpu.memory_space<vmem>> -> memref<1x64xi32, #tpu.memory_space<vmem>>
    %dma_start3A_435 = tpu.memref_squeeze %dma_start3A_434 : memref<1x64xi32, #tpu.memory_space<vmem>> -> memref<64xi32, #tpu.memory_space<vmem>>
    %dma_start3A_436 = arith.constant 0 : i32
    %dma_start3A_437 = arith.constant 0 : i32
    %dma_start3A_438 = tpu.memref_slice %arg10[%dma_start3A_436, %dma_start3A_437] : memref<10240x128xf32, #tpu.memory_space<vmem_shared>> -> memref<10240x128xf32, #tpu.memory_space<vmem_shared>>
    tpu.enqueue_indirect_dma source(%arg6 : memref<64x128xf32, #tpu.memory_space<vmem>>) target(%dma_start3A_438 : memref<10240x128xf32, #tpu.memory_space<vmem_shared>>) offsets(%dma_start3A_435 : memref<64xi32, #tpu.memory_space<vmem>>) semaphore(%arg15 : memref<!tpu.dma_semaphore, #tpu.memory_space<semaphore_mem>>) {add = true}
    %dma_wait3A_439 = arith.constant 0 : i32
    %dma_wait3A_440 = arith.constant 0 : i32
    %dma_wait3A_441 = tpu.memref_slice %arg5[%dma_wait3A_439, %dma_wait3A_440] : memref<2x5120xi32, #tpu.memory_space<vmem>> -> memref<1x64xi32, #tpu.memory_space<vmem>>
    %dma_wait3A_442 = tpu.memref_squeeze %dma_wait3A_441 : memref<1x64xi32, #tpu.memory_space<vmem>> -> memref<64xi32, #tpu.memory_space<vmem>>
    %dma_wait3A_443 = arith.constant 0 : i32
    %dma_wait3A_444 = arith.constant 0 : i32
    %dma_wait3A_445 = tpu.memref_slice %arg2[%dma_wait3A_443, %dma_wait3A_444] : memref<10000x128xf32, #tpu.memory_space<hbm>> -> memref<10000x128xf32, #tpu.memory_space<hbm>>
    tpu.wait_indirect_dma semaphore(%arg12 : memref<!tpu.dma_semaphore, #tpu.memory_space<semaphore_mem>>) src(%dma_wait3A_445 : memref<10000x128xf32, #tpu.memory_space<hbm>>) dst(%arg7 : memref<64x128xf32, #tpu.memory_space<vmem>>)
    %dma_wait3A_446 = arith.constant 1 : i32
    %dma_wait3A_447 = arith.constant 0 : i32
    %dma_wait3A_448 = tpu.memref_slice %arg5[%dma_wait3A_446, %dma_wait3A_447] : memref<2x5120xi32, #tpu.memory_space<vmem>> -> memref<1x64xi32, #tpu.memory_space<vmem>>
    %dma_wait3A_449 = tpu.memref_squeeze %dma_wait3A_448 : memref<1x64xi32, #tpu.memory_space<vmem>> -> memref<64xi32, #tpu.memory_space<vmem>>
    %dma_wait3A_450 = arith.constant 0 : i32
    %dma_wait3A_451 = arith.constant 0 : i32
    %dma_wait3A_452 = tpu.memref_slice %arg10[%dma_wait3A_450, %dma_wait3A_451] : memref<10240x128xf32, #tpu.memory_space<vmem_shared>> -> memref<10240x128xf32, #tpu.memory_space<vmem_shared>>
    tpu.wait_indirect_dma semaphore(%arg15 : memref<!tpu.dma_semaphore, #tpu.memory_space<semaphore_mem>>) src(%arg6 : memref<64x128xf32, #tpu.memory_space<vmem>>) dst(%dma_wait3A_452 : memref<10240x128xf32, #tpu.memory_space<vmem_shared>>)
    %dma_start3A_453 = arith.constant 0 : i32
    %dma_start3A_454 = arith.constant 256 : i32
    %dma_start3A_455 = tpu.memref_slice %arg5[%dma_start3A_453, %dma_start3A_454] : memref<2x5120xi32, #tpu.memory_space<vmem>> -> memref<1x64xi32, #tpu.memory_space<vmem>>
    %dma_start3A_456 = tpu.memref_squeeze %dma_start3A_455 : memref<1x64xi32, #tpu.memory_space<vmem>> -> memref<64xi32, #tpu.memory_space<vmem>>
    %dma_start3A_457 = arith.constant 0 : i32
    %dma_start3A_458 = arith.constant 0 : i32
    %dma_start3A_459 = tpu.memref_slice %arg2[%dma_start3A_457, %dma_start3A_458] : memref<10000x128xf32, #tpu.memory_space<hbm>> -> memref<10000x128xf32, #tpu.memory_space<hbm>>
    tpu.enqueue_indirect_dma source(%dma_start3A_459 : memref<10000x128xf32, #tpu.memory_space<hbm>>) target(%arg6 : memref<64x128xf32, #tpu.memory_space<vmem>>) offsets(%dma_start3A_456 : memref<64xi32, #tpu.memory_space<vmem>>) semaphore(%arg11 : memref<!tpu.dma_semaphore, #tpu.memory_space<semaphore_mem>>)
    %dma_start3A_460 = arith.constant 1 : i32
    %dma_start3A_461 = arith.constant 64 : i32
    %dma_start3A_462 = tpu.memref_slice %arg5[%dma_start3A_460, %dma_start3A_461] : memref<2x5120xi32, #tpu.memory_space<vmem>> -> memref<1x64xi32, #tpu.memory_space<vmem>>
    %dma_start3A_463 = tpu.memref_squeeze %dma_start3A_462 : memref<1x64xi32, #tpu.memory_space<vmem>> -> memref<64xi32, #tpu.memory_space<vmem>>
    %dma_start3A_464 = arith.constant 0 : i32
    %dma_start3A_465 = arith.constant 0 : i32
    %dma_start3A_466 = tpu.memref_slice %arg10[%dma_start3A_464, %dma_start3A_465] : memref<10240x128xf32, #tpu.memory_space<vmem_shared>> -> memref<10240x128xf32, #tpu.memory_space<vmem_shared>>
    tpu.enqueue_indirect_dma source(%arg7 : memref<64x128xf32, #tpu.memory_space<vmem>>) target(%dma_start3A_466 : memref<10240x128xf32, #tpu.memory_space<vmem_shared>>) offsets(%dma_start3A_463 : memref<64xi32, #tpu.memory_space<vmem>>) semaphore(%arg16 : memref<!tpu.dma_semaphore, #tpu.memory_space<semaphore_mem>>) {add = true}
    %dma_wait3A_467 = arith.constant 0 : i32
    %dma_wait3A_468 = arith.constant 0 : i32
    %dma_wait3A_469 = tpu.memref_slice %arg5[%dma_wait3A_467, %dma_wait3A_468] : memref<2x5120xi32, #tpu.memory_space<vmem>> -> memref<1x64xi32, #tpu.memory_space<vmem>>
    %dma_wait3A_470 = tpu.memref_squeeze %dma_wait3A_469 : memref<1x64xi32, #tpu.memory_space<vmem>> -> memref<64xi32, #tpu.memory_space<vmem>>
    %dma_wait3A_471 = arith.constant 0 : i32
    %dma_wait3A_472 = arith.constant 0 : i32
    %dma_wait3A_473 = tpu.memref_slice %arg2[%dma_wait3A_471, %dma_wait3A_472] : memref<10000x128xf32, #tpu.memory_space<hbm>> -> memref<10000x128xf32, #tpu.memory_space<hbm>>
    tpu.wait_indirect_dma semaphore(%arg13 : memref<!tpu.dma_semaphore, #tpu.memory_space<semaphore_mem>>) src(%dma_wait3A_473 : memref<10000x128xf32, #tpu.memory_space<hbm>>) dst(%arg8 : memref<64x128xf32, #tpu.memory_space<vmem>>)
    %dma_wait3A_474 = arith.constant 1 : i32
    %dma_wait3A_475 = arith.constant 0 : i32
    %dma_wait3A_476 = tpu.memref_slice %arg5[%dma_wait3A_474, %dma_wait3A_475] : memref<2x5120xi32, #tpu.memory_space<vmem>> -> memref<1x64xi32, #tpu.memory_space<vmem>>
    %dma_wait3A_477 = tpu.memref_squeeze %dma_wait3A_476 : memref<1x64xi32, #tpu.memory_space<vmem>> -> memref<64xi32, #tpu.memory_space<vmem>>
    %dma_wait3A_478 = arith.constant 0 : i32
    %dma_wait3A_479 = arith.constant 0 : i32
    %dma_wait3A_480 = tpu.memref_slice %arg10[%dma_wait3A_478, %dma_wait3A_479] : memref<10240x128xf32, #tpu.memory_space<vmem_shared>> -> memref<10240x128xf32, #tpu.memory_space<vmem_shared>>
    tpu.wait_indirect_dma semaphore(%arg16 : memref<!tpu.dma_semaphore, #tpu.memory_space<semaphore_mem>>) src(%arg7 : memref<64x128xf32, #tpu.memory_space<vmem>>) dst(%dma_wait3A_480 : memref<10240x128xf32, #tpu.memory_space<vmem_shared>>)
    %dma_start3A_481 = arith.constant 0 : i32
    %dma_start3A_482 = arith.constant 320 : i32
    %dma_start3A_483 = tpu.memref_slice %arg5[%dma_start3A_481, %dma_start3A_482] : memref<2x5120xi32, #tpu.memory_space<vmem>> -> memref<1x64xi32, #tpu.memory_space<vmem>>
    %dma_start3A_484 = tpu.memref_squeeze %dma_start3A_483 : memref<1x64xi32, #tpu.memory_space<vmem>> -> memref<64xi32, #tpu.memory_space<vmem>>
    %dma_start3A_485 = arith.constant 0 : i32
    %dma_start3A_486 = arith.constant 0 : i32
    %dma_start3A_487 = tpu.memref_slice %arg2[%dma_start3A_485, %dma_start3A_486] : memref<10000x128xf32, #tpu.memory_space<hbm>> -> memref<10000x128xf32, #tpu.memory_space<hbm>>
    tpu.enqueue_indirect_dma source(%dma_start3A_487 : memref<10000x128xf32, #tpu.memory_space<hbm>>) target(%arg7 : memref<64x128xf32, #tpu.memory_space<vmem>>) offsets(%dma_start3A_484 : memref<64xi32, #tpu.memory_space<vmem>>) semaphore(%arg12 : memref<!tpu.dma_semaphore, #tpu.memory_space<semaphore_mem>>)
    %dma_start3A_488 = arith.constant 1 : i32
    %dma_start3A_489 = arith.constant 128 : i32
    %dma_start3A_490 = tpu.memref_slice %arg5[%dma_start3A_488, %dma_start3A_489] : memref<2x5120xi32, #tpu.memory_space<vmem>> -> memref<1x64xi32, #tpu.memory_space<vmem>>
    %dma_start3A_491 = tpu.memref_squeeze %dma_start3A_490 : memref<1x64xi32, #tpu.memory_space<vmem>> -> memref<64xi32, #tpu.memory_space<vmem>>
    %dma_start3A_492 = arith.constant 0 : i32
    %dma_start3A_493 = arith.constant 0 : i32
    %dma_start3A_494 = tpu.memref_slice %arg10[%dma_start3A_492, %dma_start3A_493] : memref<10240x128xf32, #tpu.memory_space<vmem_shared>> -> memref<10240x128xf32, #tpu.memory_space<vmem_shared>>
    tpu.enqueue_indirect_dma source(%arg8 : memref<64x128xf32, #tpu.memory_space<vmem>>) target(%dma_start3A_494 : memref<10240x128xf32, #tpu.memory_space<vmem_shared>>) offsets(%dma_start3A_491 : memref<64xi32, #tpu.memory_space<vmem>>) semaphore(%arg17 : memref<!tpu.dma_semaphore, #tpu.memory_space<semaphore_mem>>) {add = true}
    %dma_wait3A_495 = arith.constant 0 : i32
    %dma_wait3A_496 = arith.constant 0 : i32
    %dma_wait3A_497 = tpu.memref_slice %arg5[%dma_wait3A_495, %dma_wait3A_496] : memref<2x5120xi32, #tpu.memory_space<vmem>> -> memref<1x64xi32, #tpu.memory_space<vmem>>
    %dma_wait3A_498 = tpu.memref_squeeze %dma_wait3A_497 : memref<1x64xi32, #tpu.memory_space<vmem>> -> memref<64xi32, #tpu.memory_space<vmem>>
    %dma_wait3A_499 = arith.constant 0 : i32
    %dma_wait3A_500 = arith.constant 0 : i32
    %dma_wait3A_501 = tpu.memref_slice %arg2[%dma_wait3A_499, %dma_wait3A_500] : memref<10000x128xf32, #tpu.memory_space<hbm>> -> memref<10000x128xf32, #tpu.memory_space<hbm>>
    tpu.wait_indirect_dma semaphore(%arg14 : memref<!tpu.dma_semaphore, #tpu.memory_space<semaphore_mem>>) src(%dma_wait3A_501 : memref<10000x128xf32, #tpu.memory_space<hbm>>) dst(%arg9 : memref<64x128xf32, #tpu.memory_space<vmem>>)
    %dma_wait3A_502 = arith.constant 1 : i32
    %dma_wait3A_503 = arith.constant 0 : i32
    %dma_wait3A_504 = tpu.memref_slice %arg5[%dma_wait3A_502, %dma_wait3A_503] : memref<2x5120xi32, #tpu.memory_space<vmem>> -> memref<1x64xi32, #tpu.memory_space<vmem>>
    %dma_wait3A_505 = tpu.memref_squeeze %dma_wait3A_504 : memref<1x64xi32, #tpu.memory_space<vmem>> -> memref<64xi32, #tpu.memory_space<vmem>>
    %dma_wait3A_506 = arith.constant 0 : i32
    %dma_wait3A_507 = arith.constant 0 : i32
    %dma_wait3A_508 = tpu.memref_slice %arg10[%dma_wait3A_506, %dma_wait3A_507] : memref<10240x128xf32, #tpu.memory_space<vmem_shared>> -> memref<10240x128xf32, #tpu.memory_space<vmem_shared>>
    tpu.wait_indirect_dma semaphore(%arg17 : memref<!tpu.dma_semaphore, #tpu.memory_space<semaphore_mem>>) src(%arg8 : memref<64x128xf32, #tpu.memory_space<vmem>>) dst(%dma_wait3A_508 : memref<10240x128xf32, #tpu.memory_space<vmem_shared>>)
    %dma_start3A_509 = arith.constant 0 : i32
    %dma_start3A_510 = arith.constant 384 : i32
    %dma_start3A_511 = tpu.memref_slice %arg5[%dma_start3A_509, %dma_start3A_510] : memref<2x5120xi32, #tpu.memory_space<vmem>> -> memref<1x64xi32, #tpu.memory_space<vmem>>
    %dma_start3A_512 = tpu.memref_squeeze %dma_start3A_511 : memref<1x64xi32, #tpu.memory_space<vmem>> -> memref<64xi32, #tpu.memory_space<vmem>>
    %dma_start3A_513 = arith.constant 0 : i32
    %dma_start3A_514 = arith.constant 0 : i32
    %dma_start3A_515 = tpu.memref_slice %arg2[%dma_start3A_513, %dma_start3A_514] : memref<10000x128xf32, #tpu.memory_space<hbm>> -> memref<10000x128xf32, #tpu.memory_space<hbm>>
    tpu.enqueue_indirect_dma source(%dma_start3A_515 : memref<10000x128xf32, #tpu.memory_space<hbm>>) target(%arg8 : memref<64x128xf32, #tpu.memory_space<vmem>>) offsets(%dma_start3A_512 : memref<64xi32, #tpu.memory_space<vmem>>) semaphore(%arg13 : memref<!tpu.dma_semaphore, #tpu.memory_space<semaphore_mem>>)
    %dma_start3A_516 = arith.constant 1 : i32
    %dma_start3A_517 = arith.constant 192 : i32
    %dma_start3A_518 = tpu.memref_slice %arg5[%dma_start3A_516, %dma_start3A_517] : memref<2x5120xi32, #tpu.memory_space<vmem>> -> memref<1x64xi32, #tpu.memory_space<vmem>>
    %dma_start3A_519 = tpu.memref_squeeze %dma_start3A_518 : memref<1x64xi32, #tpu.memory_space<vmem>> -> memref<64xi32, #tpu.memory_space<vmem>>
    %dma_start3A_520 = arith.constant 0 : i32
    %dma_start3A_521 = arith.constant 0 : i32
    %dma_start3A_522 = tpu.memref_slice %arg10[%dma_start3A_520, %dma_start3A_521] : memref<10240x128xf32, #tpu.memory_space<vmem_shared>> -> memref<10240x128xf32, #tpu.memory_space<vmem_shared>>
    tpu.enqueue_indirect_dma source(%arg9 : memref<64x128xf32, #tpu.memory_space<vmem>>) target(%dma_start3A_522 : memref<10240x128xf32, #tpu.memory_space<vmem_shared>>) offsets(%dma_start3A_519 : memref<64xi32, #tpu.memory_space<vmem>>) semaphore(%arg18 : memref<!tpu.dma_semaphore, #tpu.memory_space<semaphore_mem>>) {add = true}
    %scan3A_523 = arith.constant 0 : i32
    %scan3A_524 = arith.constant 17 : i32
    %scan3A_525 = arith.addi %scan3A_523, %scan3A_524 : i32
    %scan3A_526 = arith.constant 1 : i32
    scf.for %scan3A_636 = %scan3A_523 to %scan3A_525 step %scan3A_526  : i32 {
      %mul3A_637 = arith.constant 4 : i32
      %mul3A_638 = arith.muli %scan3A_636, %mul3A_637 : i32
      %add3A_639 = arith.constant 4 : i32
      %add3A_640 = arith.addi %add3A_639, %mul3A_638 : i32
      %dma_wait3A_641 = arith.constant 0 : i32
      %dma_wait3A_642 = arith.constant 0 : i32
      %dma_wait3A_643 = tpu.memref_slice %arg5[%dma_wait3A_641, %dma_wait3A_642] : memref<2x5120xi32, #tpu.memory_space<vmem>> -> memref<1x64xi32, #tpu.memory_space<vmem>>
      %dma_wait3A_644 = tpu.memref_squeeze %dma_wait3A_643 : memref<1x64xi32, #tpu.memory_space<vmem>> -> memref<64xi32, #tpu.memory_space<vmem>>
      %dma_wait3A_645 = arith.constant 0 : i32
      %dma_wait3A_646 = arith.constant 0 : i32
      %dma_wait3A_647 = tpu.memref_slice %arg2[%dma_wait3A_645, %dma_wait3A_646] : memref<10000x128xf32, #tpu.memory_space<hbm>> -> memref<10000x128xf32, #tpu.memory_space<hbm>>
      tpu.wait_indirect_dma semaphore(%arg11 : memref<!tpu.dma_semaphore, #tpu.memory_space<semaphore_mem>>) src(%dma_wait3A_647 : memref<10000x128xf32, #tpu.memory_space<hbm>>) dst(%arg6 : memref<64x128xf32, #tpu.memory_space<vmem>>)
      %dma_wait3A_648 = arith.constant 1 : i32
      %dma_wait3A_649 = arith.constant 0 : i32
      %dma_wait3A_650 = tpu.memref_slice %arg5[%dma_wait3A_648, %dma_wait3A_649] : memref<2x5120xi32, #tpu.memory_space<vmem>> -> memref<1x64xi32, #tpu.memory_space<vmem>>
      %dma_wait3A_651 = tpu.memref_squeeze %dma_wait3A_650 : memref<1x64xi32, #tpu.memory_space<vmem>> -> memref<64xi32, #tpu.memory_space<vmem>>
      %dma_wait3A_652 = arith.constant 0 : i32
      %dma_wait3A_653 = arith.constant 0 : i32
      %dma_wait3A_654 = tpu.memref_slice %arg10[%dma_wait3A_652, %dma_wait3A_653] : memref<10240x128xf32, #tpu.memory_space<vmem_shared>> -> memref<10240x128xf32, #tpu.memory_space<vmem_shared>>
      tpu.wait_indirect_dma semaphore(%arg18 : memref<!tpu.dma_semaphore, #tpu.memory_space<semaphore_mem>>) src(%arg9 : memref<64x128xf32, #tpu.memory_space<vmem>>) dst(%dma_wait3A_654 : memref<10240x128xf32, #tpu.memory_space<vmem_shared>>)
      %add3A_655 = arith.constant 0 : i32
      %add3A_656 = arith.addi %add3A_640, %add3A_655 : i32
      %add3A_657 = arith.constant 3 : i32
      %add3A_658 = arith.addi %add3A_656, %add3A_657 : i32
      %mul3A_659 = arith.constant 64 : i32
      %mul3A_660 = arith.muli %add3A_658, %mul3A_659 : i32
      %dma_start3A_661 = arith.constant 0 : i32
      %dma_start3A_662 = tpu.memref_slice %arg5[%dma_start3A_661, %mul3A_660] : memref<2x5120xi32, #tpu.memory_space<vmem>> -> memref<1x64xi32, #tpu.memory_space<vmem>>
      %dma_start3A_663 = tpu.memref_squeeze %dma_start3A_662 : memref<1x64xi32, #tpu.memory_space<vmem>> -> memref<64xi32, #tpu.memory_space<vmem>>
      %dma_start3A_664 = arith.constant 0 : i32
      %dma_start3A_665 = arith.constant 0 : i32
      %dma_start3A_666 = tpu.memref_slice %arg2[%dma_start3A_664, %dma_start3A_665] : memref<10000x128xf32, #tpu.memory_space<hbm>> -> memref<10000x128xf32, #tpu.memory_space<hbm>>
      tpu.enqueue_indirect_dma source(%dma_start3A_666 : memref<10000x128xf32, #tpu.memory_space<hbm>>) target(%arg9 : memref<64x128xf32, #tpu.memory_space<vmem>>) offsets(%dma_start3A_663 : memref<64xi32, #tpu.memory_space<vmem>>) semaphore(%arg14 : memref<!tpu.dma_semaphore, #tpu.memory_space<semaphore_mem>>)
      %add3A_667 = arith.constant 0 : i32
      %add3A_668 = arith.addi %add3A_640, %add3A_667 : i32
      %mul3A_669 = arith.constant 64 : i32
      %mul3A_670 = arith.muli %add3A_668, %mul3A_669 : i32
      %dma_start3A_671 = arith.constant 1 : i32
      %dma_start3A_672 = tpu.memref_slice %arg5[%dma_start3A_671, %mul3A_670] : memref<2x5120xi32, #tpu.memory_space<vmem>> -> memref<1x64xi32, #tpu.memory_space<vmem>>
      %dma_start3A_673 = tpu.memref_squeeze %dma_start3A_672 : memref<1x64xi32, #tpu.memory_space<vmem>> -> memref<64xi32, #tpu.memory_space<vmem>>
      %dma_start3A_674 = arith.constant 0 : i32
      %dma_start3A_675 = arith.constant 0 : i32
      %dma_start3A_676 = tpu.memref_slice %arg10[%dma_start3A_674, %dma_start3A_675] : memref<10240x128xf32, #tpu.memory_space<vmem_shared>> -> memref<10240x128xf32, #tpu.memory_space<vmem_shared>>
      tpu.enqueue_indirect_dma source(%arg6 : memref<64x128xf32, #tpu.memory_space<vmem>>) target(%dma_start3A_676 : memref<10240x128xf32, #tpu.memory_space<vmem_shared>>) offsets(%dma_start3A_673 : memref<64xi32, #tpu.memory_space<vmem>>) semaphore(%arg15 : memref<!tpu.dma_semaphore, #tpu.memory_space<semaphore_mem>>) {add = true}
      %dma_wait3A_677 = arith.constant 0 : i32
      %dma_wait3A_678 = arith.constant 0 : i32
      %dma_wait3A_679 = tpu.memref_slice %arg5[%dma_wait3A_677, %dma_wait3A_678] : memref<2x5120xi32, #tpu.memory_space<vmem>> -> memref<1x64xi32, #tpu.memory_space<vmem>>
      %dma_wait3A_680 = tpu.memref_squeeze %dma_wait3A_679 : memref<1x64xi32, #tpu.memory_space<vmem>> -> memref<64xi32, #tpu.memory_space<vmem>>
      %dma_wait3A_681 = arith.constant 0 : i32
      %dma_wait3A_682 = arith.constant 0 : i32
      %dma_wait3A_683 = tpu.memref_slice %arg2[%dma_wait3A_681, %dma_wait3A_682] : memref<10000x128xf32, #tpu.memory_space<hbm>> -> memref<10000x128xf32, #tpu.memory_space<hbm>>
      tpu.wait_indirect_dma semaphore(%arg12 : memref<!tpu.dma_semaphore, #tpu.memory_space<semaphore_mem>>) src(%dma_wait3A_683 : memref<10000x128xf32, #tpu.memory_space<hbm>>) dst(%arg7 : memref<64x128xf32, #tpu.memory_space<vmem>>)
      %dma_wait3A_684 = arith.constant 1 : i32
      %dma_wait3A_685 = arith.constant 0 : i32
      %dma_wait3A_686 = tpu.memref_slice %arg5[%dma_wait3A_684, %dma_wait3A_685] : memref<2x5120xi32, #tpu.memory_space<vmem>> -> memref<1x64xi32, #tpu.memory_space<vmem>>
      %dma_wait3A_687 = tpu.memref_squeeze %dma_wait3A_686 : memref<1x64xi32, #tpu.memory_space<vmem>> -> memref<64xi32, #tpu.memory_space<vmem>>
      %dma_wait3A_688 = arith.constant 0 : i32
      %dma_wait3A_689 = arith.constant 0 : i32
      %dma_wait3A_690 = tpu.memref_slice %arg10[%dma_wait3A_688, %dma_wait3A_689] : memref<10240x128xf32, #tpu.memory_space<vmem_shared>> -> memref<10240x128xf32, #tpu.memory_space<vmem_shared>>
      tpu.wait_indirect_dma semaphore(%arg15 : memref<!tpu.dma_semaphore, #tpu.memory_space<semaphore_mem>>) src(%arg6 : memref<64x128xf32, #tpu.memory_space<vmem>>) dst(%dma_wait3A_690 : memref<10240x128xf32, #tpu.memory_space<vmem_shared>>)
      %add3A_691 = arith.constant 1 : i32
      %add3A_692 = arith.addi %add3A_640, %add3A_691 : i32
      %add3A_693 = arith.constant 3 : i32
      %add3A_694 = arith.addi %add3A_692, %add3A_693 : i32
      %mul3A_695 = arith.constant 64 : i32
      %mul3A_696 = arith.muli %add3A_694, %mul3A_695 : i32
      %dma_start3A_697 = arith.constant 0 : i32
      %dma_start3A_698 = tpu.memref_slice %arg5[%dma_start3A_697, %mul3A_696] : memref<2x5120xi32, #tpu.memory_space<vmem>> -> memref<1x64xi32, #tpu.memory_space<vmem>>
      %dma_start3A_699 = tpu.memref_squeeze %dma_start3A_698 : memref<1x64xi32, #tpu.memory_space<vmem>> -> memref<64xi32, #tpu.memory_space<vmem>>
      %dma_start3A_700 = arith.constant 0 : i32
      %dma_start3A_701 = arith.constant 0 : i32
      %dma_start3A_702 = tpu.memref_slice %arg2[%dma_start3A_700, %dma_start3A_701] : memref<10000x128xf32, #tpu.memory_space<hbm>> -> memref<10000x128xf32, #tpu.memory_space<hbm>>
      tpu.enqueue_indirect_dma source(%dma_start3A_702 : memref<10000x128xf32, #tpu.memory_space<hbm>>) target(%arg6 : memref<64x128xf32, #tpu.memory_space<vmem>>) offsets(%dma_start3A_699 : memref<64xi32, #tpu.memory_space<vmem>>) semaphore(%arg11 : memref<!tpu.dma_semaphore, #tpu.memory_space<semaphore_mem>>)
      %add3A_703 = arith.constant 1 : i32
      %add3A_704 = arith.addi %add3A_640, %add3A_703 : i32
      %mul3A_705 = arith.constant 64 : i32
      %mul3A_706 = arith.muli %add3A_704, %mul3A_705 : i32
      %dma_start3A_707 = arith.constant 1 : i32
      %dma_start3A_708 = tpu.memref_slice %arg5[%dma_start3A_707, %mul3A_706] : memref<2x5120xi32, #tpu.memory_space<vmem>> -> memref<1x64xi32, #tpu.memory_space<vmem>>
      %dma_start3A_709 = tpu.memref_squeeze %dma_start3A_708 : memref<1x64xi32, #tpu.memory_space<vmem>> -> memref<64xi32, #tpu.memory_space<vmem>>
      %dma_start3A_710 = arith.constant 0 : i32
      %dma_start3A_711 = arith.constant 0 : i32
      %dma_start3A_712 = tpu.memref_slice %arg10[%dma_start3A_710, %dma_start3A_711] : memref<10240x128xf32, #tpu.memory_space<vmem_shared>> -> memref<10240x128xf32, #tpu.memory_space<vmem_shared>>
      tpu.enqueue_indirect_dma source(%arg7 : memref<64x128xf32, #tpu.memory_space<vmem>>) target(%dma_start3A_712 : memref<10240x128xf32, #tpu.memory_space<vmem_shared>>) offsets(%dma_start3A_709 : memref<64xi32, #tpu.memory_space<vmem>>) semaphore(%arg16 : memref<!tpu.dma_semaphore, #tpu.memory_space<semaphore_mem>>) {add = true}
      %dma_wait3A_713 = arith.constant 0 : i32
      %dma_wait3A_714 = arith.constant 0 : i32
      %dma_wait3A_715 = tpu.memref_slice %arg5[%dma_wait3A_713, %dma_wait3A_714] : memref<2x5120xi32, #tpu.memory_space<vmem>> -> memref<1x64xi32, #tpu.memory_space<vmem>>
      %dma_wait3A_716 = tpu.memref_squeeze %dma_wait3A_715 : memref<1x64xi32, #tpu.memory_space<vmem>> -> memref<64xi32, #tpu.memory_space<vmem>>
      %dma_wait3A_717 = arith.constant 0 : i32
      %dma_wait3A_718 = arith.constant 0 : i32
      %dma_wait3A_719 = tpu.memref_slice %arg2[%dma_wait3A_717, %dma_wait3A_718] : memref<10000x128xf32, #tpu.memory_space<hbm>> -> memref<10000x128xf32, #tpu.memory_space<hbm>>
      tpu.wait_indirect_dma semaphore(%arg13 : memref<!tpu.dma_semaphore, #tpu.memory_space<semaphore_mem>>) src(%dma_wait3A_719 : memref<10000x128xf32, #tpu.memory_space<hbm>>) dst(%arg8 : memref<64x128xf32, #tpu.memory_space<vmem>>)
      %dma_wait3A_720 = arith.constant 1 : i32
      %dma_wait3A_721 = arith.constant 0 : i32
      %dma_wait3A_722 = tpu.memref_slice %arg5[%dma_wait3A_720, %dma_wait3A_721] : memref<2x5120xi32, #tpu.memory_space<vmem>> -> memref<1x64xi32, #tpu.memory_space<vmem>>
      %dma_wait3A_723 = tpu.memref_squeeze %dma_wait3A_722 : memref<1x64xi32, #tpu.memory_space<vmem>> -> memref<64xi32, #tpu.memory_space<vmem>>
      %dma_wait3A_724 = arith.constant 0 : i32
      %dma_wait3A_725 = arith.constant 0 : i32
      %dma_wait3A_726 = tpu.memref_slice %arg10[%dma_wait3A_724, %dma_wait3A_725] : memref<10240x128xf32, #tpu.memory_space<vmem_shared>> -> memref<10240x128xf32, #tpu.memory_space<vmem_shared>>
      tpu.wait_indirect_dma semaphore(%arg16 : memref<!tpu.dma_semaphore, #tpu.memory_space<semaphore_mem>>) src(%arg7 : memref<64x128xf32, #tpu.memory_space<vmem>>) dst(%dma_wait3A_726 : memref<10240x128xf32, #tpu.memory_space<vmem_shared>>)
      %add3A_727 = arith.constant 2 : i32
      %add3A_728 = arith.addi %add3A_640, %add3A_727 : i32
      %add3A_729 = arith.constant 3 : i32
      %add3A_730 = arith.addi %add3A_728, %add3A_729 : i32
      %mul3A_731 = arith.constant 64 : i32
      %mul3A_732 = arith.muli %add3A_730, %mul3A_731 : i32
      %dma_start3A_733 = arith.constant 0 : i32
      %dma_start3A_734 = tpu.memref_slice %arg5[%dma_start3A_733, %mul3A_732] : memref<2x5120xi32, #tpu.memory_space<vmem>> -> memref<1x64xi32, #tpu.memory_space<vmem>>
      %dma_start3A_735 = tpu.memref_squeeze %dma_start3A_734 : memref<1x64xi32, #tpu.memory_space<vmem>> -> memref<64xi32, #tpu.memory_space<vmem>>
      %dma_start3A_736 = arith.constant 0 : i32
      %dma_start3A_737 = arith.constant 0 : i32
      %dma_start3A_738 = tpu.memref_slice %arg2[%dma_start3A_736, %dma_start3A_737] : memref<10000x128xf32, #tpu.memory_space<hbm>> -> memref<10000x128xf32, #tpu.memory_space<hbm>>
      tpu.enqueue_indirect_dma source(%dma_start3A_738 : memref<10000x128xf32, #tpu.memory_space<hbm>>) target(%arg7 : memref<64x128xf32, #tpu.memory_space<vmem>>) offsets(%dma_start3A_735 : memref<64xi32, #tpu.memory_space<vmem>>) semaphore(%arg12 : memref<!tpu.dma_semaphore, #tpu.memory_space<semaphore_mem>>)
      %add3A_739 = arith.constant 2 : i32
      %add3A_740 = arith.addi %add3A_640, %add3A_739 : i32
      %mul3A_741 = arith.constant 64 : i32
      %mul3A_742 = arith.muli %add3A_740, %mul3A_741 : i32
      %dma_start3A_743 = arith.constant 1 : i32
      %dma_start3A_744 = tpu.memref_slice %arg5[%dma_start3A_743, %mul3A_742] : memref<2x5120xi32, #tpu.memory_space<vmem>> -> memref<1x64xi32, #tpu.memory_space<vmem>>
      %dma_start3A_745 = tpu.memref_squeeze %dma_start3A_744 : memref<1x64xi32, #tpu.memory_space<vmem>> -> memref<64xi32, #tpu.memory_space<vmem>>
      %dma_start3A_746 = arith.constant 0 : i32
      %dma_start3A_747 = arith.constant 0 : i32
      %dma_start3A_748 = tpu.memref_slice %arg10[%dma_start3A_746, %dma_start3A_747] : memref<10240x128xf32, #tpu.memory_space<vmem_shared>> -> memref<10240x128xf32, #tpu.memory_space<vmem_shared>>
      tpu.enqueue_indirect_dma source(%arg8 : memref<64x128xf32, #tpu.memory_space<vmem>>) target(%dma_start3A_748 : memref<10240x128xf32, #tpu.memory_space<vmem_shared>>) offsets(%dma_start3A_745 : memref<64xi32, #tpu.memory_space<vmem>>) semaphore(%arg17 : memref<!tpu.dma_semaphore, #tpu.memory_space<semaphore_mem>>) {add = true}
      %dma_wait3A_749 = arith.constant 0 : i32
      %dma_wait3A_750 = arith.constant 0 : i32
      %dma_wait3A_751 = tpu.memref_slice %arg5[%dma_wait3A_749, %dma_wait3A_750] : memref<2x5120xi32, #tpu.memory_space<vmem>> -> memref<1x64xi32, #tpu.memory_space<vmem>>
      %dma_wait3A_752 = tpu.memref_squeeze %dma_wait3A_751 : memref<1x64xi32, #tpu.memory_space<vmem>> -> memref<64xi32, #tpu.memory_space<vmem>>
      %dma_wait3A_753 = arith.constant 0 : i32
      %dma_wait3A_754 = arith.constant 0 : i32
      %dma_wait3A_755 = tpu.memref_slice %arg2[%dma_wait3A_753, %dma_wait3A_754] : memref<10000x128xf32, #tpu.memory_space<hbm>> -> memref<10000x128xf32, #tpu.memory_space<hbm>>
      tpu.wait_indirect_dma semaphore(%arg14 : memref<!tpu.dma_semaphore, #tpu.memory_space<semaphore_mem>>) src(%dma_wait3A_755 : memref<10000x128xf32, #tpu.memory_space<hbm>>) dst(%arg9 : memref<64x128xf32, #tpu.memory_space<vmem>>)
      %dma_wait3A_756 = arith.constant 1 : i32
      %dma_wait3A_757 = arith.constant 0 : i32
      %dma_wait3A_758 = tpu.memref_slice %arg5[%dma_wait3A_756, %dma_wait3A_757] : memref<2x5120xi32, #tpu.memory_space<vmem>> -> memref<1x64xi32, #tpu.memory_space<vmem>>
      %dma_wait3A_759 = tpu.memref_squeeze %dma_wait3A_758 : memref<1x64xi32, #tpu.memory_space<vmem>> -> memref<64xi32, #tpu.memory_space<vmem>>
      %dma_wait3A_760 = arith.constant 0 : i32
      %dma_wait3A_761 = arith.constant 0 : i32
      %dma_wait3A_762 = tpu.memref_slice %arg10[%dma_wait3A_760, %dma_wait3A_761] : memref<10240x128xf32, #tpu.memory_space<vmem_shared>> -> memref<10240x128xf32, #tpu.memory_space<vmem_shared>>
      tpu.wait_indirect_dma semaphore(%arg17 : memref<!tpu.dma_semaphore, #tpu.memory_space<semaphore_mem>>) src(%arg8 : memref<64x128xf32, #tpu.memory_space<vmem>>) dst(%dma_wait3A_762 : memref<10240x128xf32, #tpu.memory_space<vmem_shared>>)
      %add3A_763 = arith.constant 3 : i32
      %add3A_764 = arith.addi %add3A_640, %add3A_763 : i32
      %add3A_765 = arith.constant 3 : i32
      %add3A_766 = arith.addi %add3A_764, %add3A_765 : i32
      %mul3A_767 = arith.constant 64 : i32
      %mul3A_768 = arith.muli %add3A_766, %mul3A_767 : i32
      %dma_start3A_769 = arith.constant 0 : i32
      %dma_start3A_770 = tpu.memref_slice %arg5[%dma_start3A_769, %mul3A_768] : memref<2x5120xi32, #tpu.memory_space<vmem>> -> memref<1x64xi32, #tpu.memory_space<vmem>>
      %dma_start3A_771 = tpu.memref_squeeze %dma_start3A_770 : memref<1x64xi32, #tpu.memory_space<vmem>> -> memref<64xi32, #tpu.memory_space<vmem>>
      %dma_start3A_772 = arith.constant 0 : i32
      %dma_start3A_773 = arith.constant 0 : i32
      %dma_start3A_774 = tpu.memref_slice %arg2[%dma_start3A_772, %dma_start3A_773] : memref<10000x128xf32, #tpu.memory_space<hbm>> -> memref<10000x128xf32, #tpu.memory_space<hbm>>
      tpu.enqueue_indirect_dma source(%dma_start3A_774 : memref<10000x128xf32, #tpu.memory_space<hbm>>) target(%arg8 : memref<64x128xf32, #tpu.memory_space<vmem>>) offsets(%dma_start3A_771 : memref<64xi32, #tpu.memory_space<vmem>>) semaphore(%arg13 : memref<!tpu.dma_semaphore, #tpu.memory_space<semaphore_mem>>)
      %add3A_775 = arith.constant 3 : i32
      %add3A_776 = arith.addi %add3A_640, %add3A_775 : i32
      %mul3A_777 = arith.constant 64 : i32
      %mul3A_778 = arith.muli %add3A_776, %mul3A_777 : i32
      %dma_start3A_779 = arith.constant 1 : i32
      %dma_start3A_780 = tpu.memref_slice %arg5[%dma_start3A_779, %mul3A_778] : memref<2x5120xi32, #tpu.memory_space<vmem>> -> memref<1x64xi32, #tpu.memory_space<vmem>>
      %dma_start3A_781 = tpu.memref_squeeze %dma_start3A_780 : memref<1x64xi32, #tpu.memory_space<vmem>> -> memref<64xi32, #tpu.memory_space<vmem>>
      %dma_start3A_782 = arith.constant 0 : i32
      %dma_start3A_783 = arith.constant 0 : i32
      %dma_start3A_784 = tpu.memref_slice %arg10[%dma_start3A_782, %dma_start3A_783] : memref<10240x128xf32, #tpu.memory_space<vmem_shared>> -> memref<10240x128xf32, #tpu.memory_space<vmem_shared>>
      tpu.enqueue_indirect_dma source(%arg9 : memref<64x128xf32, #tpu.memory_space<vmem>>) target(%dma_start3A_784 : memref<10240x128xf32, #tpu.memory_space<vmem_shared>>) offsets(%dma_start3A_781 : memref<64xi32, #tpu.memory_space<vmem>>) semaphore(%arg18 : memref<!tpu.dma_semaphore, #tpu.memory_space<semaphore_mem>>) {add = true}
    }
    %scan3A_527 = arith.constant 17 : i32
    %dma_wait3A_528 = arith.constant 0 : i32
    %dma_wait3A_529 = arith.constant 0 : i32
    %dma_wait3A_530 = tpu.memref_slice %arg5[%dma_wait3A_528, %dma_wait3A_529] : memref<2x5120xi32, #tpu.memory_space<vmem>> -> memref<1x64xi32, #tpu.memory_space<vmem>>
    %dma_wait3A_531 = tpu.memref_squeeze %dma_wait3A_530 : memref<1x64xi32, #tpu.memory_space<vmem>> -> memref<64xi32, #tpu.memory_space<vmem>>
    %dma_wait3A_532 = arith.constant 0 : i32
    %dma_wait3A_533 = arith.constant 0 : i32
    %dma_wait3A_534 = tpu.memref_slice %arg2[%dma_wait3A_532, %dma_wait3A_533] : memref<10000x128xf32, #tpu.memory_space<hbm>> -> memref<10000x128xf32, #tpu.memory_space<hbm>>
    tpu.wait_indirect_dma semaphore(%arg11 : memref<!tpu.dma_semaphore, #tpu.memory_space<semaphore_mem>>) src(%dma_wait3A_534 : memref<10000x128xf32, #tpu.memory_space<hbm>>) dst(%arg6 : memref<64x128xf32, #tpu.memory_space<vmem>>)
    %dma_wait3A_535 = arith.constant 1 : i32
    %dma_wait3A_536 = arith.constant 0 : i32
    %dma_wait3A_537 = tpu.memref_slice %arg5[%dma_wait3A_535, %dma_wait3A_536] : memref<2x5120xi32, #tpu.memory_space<vmem>> -> memref<1x64xi32, #tpu.memory_space<vmem>>
    %dma_wait3A_538 = tpu.memref_squeeze %dma_wait3A_537 : memref<1x64xi32, #tpu.memory_space<vmem>> -> memref<64xi32, #tpu.memory_space<vmem>>
    %dma_wait3A_539 = arith.constant 0 : i32
    %dma_wait3A_540 = arith.constant 0 : i32
    %dma_wait3A_541 = tpu.memref_slice %arg10[%dma_wait3A_539, %dma_wait3A_540] : memref<10240x128xf32, #tpu.memory_space<vmem_shared>> -> memref<10240x128xf32, #tpu.memory_space<vmem_shared>>
    tpu.wait_indirect_dma semaphore(%arg18 : memref<!tpu.dma_semaphore, #tpu.memory_space<semaphore_mem>>) src(%arg9 : memref<64x128xf32, #tpu.memory_space<vmem>>) dst(%dma_wait3A_541 : memref<10240x128xf32, #tpu.memory_space<vmem_shared>>)
    %dma_start3A_542 = arith.constant 0 : i32
    %dma_start3A_543 = arith.constant 4800 : i32
    %dma_start3A_544 = tpu.memref_slice %arg5[%dma_start3A_542, %dma_start3A_543] : memref<2x5120xi32, #tpu.memory_space<vmem>> -> memref<1x64xi32, #tpu.memory_space<vmem>>
    %dma_start3A_545 = tpu.memref_squeeze %dma_start3A_544 : memref<1x64xi32, #tpu.memory_space<vmem>> -> memref<64xi32, #tpu.memory_space<vmem>>
    %dma_start3A_546 = arith.constant 0 : i32
    %dma_start3A_547 = arith.constant 0 : i32
    %dma_start3A_548 = tpu.memref_slice %arg2[%dma_start3A_546, %dma_start3A_547] : memref<10000x128xf32, #tpu.memory_space<hbm>> -> memref<10000x128xf32, #tpu.memory_space<hbm>>
    tpu.enqueue_indirect_dma source(%dma_start3A_548 : memref<10000x128xf32, #tpu.memory_space<hbm>>) target(%arg9 : memref<64x128xf32, #tpu.memory_space<vmem>>) offsets(%dma_start3A_545 : memref<64xi32, #tpu.memory_space<vmem>>) semaphore(%arg14 : memref<!tpu.dma_semaphore, #tpu.memory_space<semaphore_mem>>)
    %dma_start3A_549 = arith.constant 1 : i32
    %dma_start3A_550 = arith.constant 4608 : i32
    %dma_start3A_551 = tpu.memref_slice %arg5[%dma_start3A_549, %dma_start3A_550] : memref<2x5120xi32, #tpu.memory_space<vmem>> -> memref<1x64xi32, #tpu.memory_space<vmem>>
    %dma_start3A_552 = tpu.memref_squeeze %dma_start3A_551 : memref<1x64xi32, #tpu.memory_space<vmem>> -> memref<64xi32, #tpu.memory_space<vmem>>
    %dma_start3A_553 = arith.constant 0 : i32
    %dma_start3A_554 = arith.constant 0 : i32
    %dma_start3A_555 = tpu.memref_slice %arg10[%dma_start3A_553, %dma_start3A_554] : memref<10240x128xf32, #tpu.memory_space<vmem_shared>> -> memref<10240x128xf32, #tpu.memory_space<vmem_shared>>
    tpu.enqueue_indirect_dma source(%arg6 : memref<64x128xf32, #tpu.memory_space<vmem>>) target(%dma_start3A_555 : memref<10240x128xf32, #tpu.memory_space<vmem_shared>>) offsets(%dma_start3A_552 : memref<64xi32, #tpu.memory_space<vmem>>) semaphore(%arg15 : memref<!tpu.dma_semaphore, #tpu.memory_space<semaphore_mem>>) {add = true}
    %dma_wait3A_556 = arith.constant 0 : i32
    %dma_wait3A_557 = arith.constant 0 : i32
    %dma_wait3A_558 = tpu.memref_slice %arg5[%dma_wait3A_556, %dma_wait3A_557] : memref<2x5120xi32, #tpu.memory_space<vmem>> -> memref<1x64xi32, #tpu.memory_space<vmem>>
    %dma_wait3A_559 = tpu.memref_squeeze %dma_wait3A_558 : memref<1x64xi32, #tpu.memory_space<vmem>> -> memref<64xi32, #tpu.memory_space<vmem>>
    %dma_wait3A_560 = arith.constant 0 : i32
    %dma_wait3A_561 = arith.constant 0 : i32
    %dma_wait3A_562 = tpu.memref_slice %arg2[%dma_wait3A_560, %dma_wait3A_561] : memref<10000x128xf32, #tpu.memory_space<hbm>> -> memref<10000x128xf32, #tpu.memory_space<hbm>>
    tpu.wait_indirect_dma semaphore(%arg12 : memref<!tpu.dma_semaphore, #tpu.memory_space<semaphore_mem>>) src(%dma_wait3A_562 : memref<10000x128xf32, #tpu.memory_space<hbm>>) dst(%arg7 : memref<64x128xf32, #tpu.memory_space<vmem>>)
    %dma_wait3A_563 = arith.constant 1 : i32
    %dma_wait3A_564 = arith.constant 0 : i32
    %dma_wait3A_565 = tpu.memref_slice %arg5[%dma_wait3A_563, %dma_wait3A_564] : memref<2x5120xi32, #tpu.memory_space<vmem>> -> memref<1x64xi32, #tpu.memory_space<vmem>>
    %dma_wait3A_566 = tpu.memref_squeeze %dma_wait3A_565 : memref<1x64xi32, #tpu.memory_space<vmem>> -> memref<64xi32, #tpu.memory_space<vmem>>
    %dma_wait3A_567 = arith.constant 0 : i32
    %dma_wait3A_568 = arith.constant 0 : i32
    %dma_wait3A_569 = tpu.memref_slice %arg10[%dma_wait3A_567, %dma_wait3A_568] : memref<10240x128xf32, #tpu.memory_space<vmem_shared>> -> memref<10240x128xf32, #tpu.memory_space<vmem_shared>>
    tpu.wait_indirect_dma semaphore(%arg15 : memref<!tpu.dma_semaphore, #tpu.memory_space<semaphore_mem>>) src(%arg6 : memref<64x128xf32, #tpu.memory_space<vmem>>) dst(%dma_wait3A_569 : memref<10240x128xf32, #tpu.memory_space<vmem_shared>>)
    %dma_start3A_570 = arith.constant 1 : i32
    %dma_start3A_571 = arith.constant 4672 : i32
    %dma_start3A_572 = tpu.memref_slice %arg5[%dma_start3A_570, %dma_start3A_571] : memref<2x5120xi32, #tpu.memory_space<vmem>> -> memref<1x64xi32, #tpu.memory_space<vmem>>
    %dma_start3A_573 = tpu.memref_squeeze %dma_start3A_572 : memref<1x64xi32, #tpu.memory_space<vmem>> -> memref<64xi32, #tpu.memory_space<vmem>>
    %dma_start3A_574 = arith.constant 0 : i32
    %dma_start3A_575 = arith.constant 0 : i32
    %dma_start3A_576 = tpu.memref_slice %arg10[%dma_start3A_574, %dma_start3A_575] : memref<10240x128xf32, #tpu.memory_space<vmem_shared>> -> memref<10240x128xf32, #tpu.memory_space<vmem_shared>>
    tpu.enqueue_indirect_dma source(%arg7 : memref<64x128xf32, #tpu.memory_space<vmem>>) target(%dma_start3A_576 : memref<10240x128xf32, #tpu.memory_space<vmem_shared>>) offsets(%dma_start3A_573 : memref<64xi32, #tpu.memory_space<vmem>>) semaphore(%arg16 : memref<!tpu.dma_semaphore, #tpu.memory_space<semaphore_mem>>) {add = true}
    %dma_wait3A_577 = arith.constant 0 : i32
    %dma_wait3A_578 = arith.constant 0 : i32
    %dma_wait3A_579 = tpu.memref_slice %arg5[%dma_wait3A_577, %dma_wait3A_578] : memref<2x5120xi32, #tpu.memory_space<vmem>> -> memref<1x64xi32, #tpu.memory_space<vmem>>
    %dma_wait3A_580 = tpu.memref_squeeze %dma_wait3A_579 : memref<1x64xi32, #tpu.memory_space<vmem>> -> memref<64xi32, #tpu.memory_space<vmem>>
    %dma_wait3A_581 = arith.constant 0 : i32
    %dma_wait3A_582 = arith.constant 0 : i32
    %dma_wait3A_583 = tpu.memref_slice %arg2[%dma_wait3A_581, %dma_wait3A_582] : memref<10000x128xf32, #tpu.memory_space<hbm>> -> memref<10000x128xf32, #tpu.memory_space<hbm>>
    tpu.wait_indirect_dma semaphore(%arg13 : memref<!tpu.dma_semaphore, #tpu.memory_space<semaphore_mem>>) src(%dma_wait3A_583 : memref<10000x128xf32, #tpu.memory_space<hbm>>) dst(%arg8 : memref<64x128xf32, #tpu.memory_space<vmem>>)
    %dma_wait3A_584 = arith.constant 1 : i32
    %dma_wait3A_585 = arith.constant 0 : i32
    %dma_wait3A_586 = tpu.memref_slice %arg5[%dma_wait3A_584, %dma_wait3A_585] : memref<2x5120xi32, #tpu.memory_space<vmem>> -> memref<1x64xi32, #tpu.memory_space<vmem>>
    %dma_wait3A_587 = tpu.memref_squeeze %dma_wait3A_586 : memref<1x64xi32, #tpu.memory_space<vmem>> -> memref<64xi32, #tpu.memory_space<vmem>>
    %dma_wait3A_588 = arith.constant 0 : i32
    %dma_wait3A_589 = arith.constant 0 : i32
    %dma_wait3A_590 = tpu.memref_slice %arg10[%dma_wait3A_588, %dma_wait3A_589] : memref<10240x128xf32, #tpu.memory_space<vmem_shared>> -> memref<10240x128xf32, #tpu.memory_space<vmem_shared>>
    tpu.wait_indirect_dma semaphore(%arg16 : memref<!tpu.dma_semaphore, #tpu.memory_space<semaphore_mem>>) src(%arg7 : memref<64x128xf32, #tpu.memory_space<vmem>>) dst(%dma_wait3A_590 : memref<10240x128xf32, #tpu.memory_space<vmem_shared>>)
    %dma_start3A_591 = arith.constant 1 : i32
    %dma_start3A_592 = arith.constant 4736 : i32
    %dma_start3A_593 = tpu.memref_slice %arg5[%dma_start3A_591, %dma_start3A_592] : memref<2x5120xi32, #tpu.memory_space<vmem>> -> memref<1x64xi32, #tpu.memory_space<vmem>>
    %dma_start3A_594 = tpu.memref_squeeze %dma_start3A_593 : memref<1x64xi32, #tpu.memory_space<vmem>> -> memref<64xi32, #tpu.memory_space<vmem>>
    %dma_start3A_595 = arith.constant 0 : i32
    %dma_start3A_596 = arith.constant 0 : i32
    %dma_start3A_597 = tpu.memref_slice %arg10[%dma_start3A_595, %dma_start3A_596] : memref<10240x128xf32, #tpu.memory_space<vmem_shared>> -> memref<10240x128xf32, #tpu.memory_space<vmem_shared>>
    tpu.enqueue_indirect_dma source(%arg8 : memref<64x128xf32, #tpu.memory_space<vmem>>) target(%dma_start3A_597 : memref<10240x128xf32, #tpu.memory_space<vmem_shared>>) offsets(%dma_start3A_594 : memref<64xi32, #tpu.memory_space<vmem>>) semaphore(%arg17 : memref<!tpu.dma_semaphore, #tpu.memory_space<semaphore_mem>>) {add = true}
    %dma_wait3A_598 = arith.constant 0 : i32
    %dma_wait3A_599 = arith.constant 0 : i32
    %dma_wait3A_600 = tpu.memref_slice %arg5[%dma_wait3A_598, %dma_wait3A_599] : memref<2x5120xi32, #tpu.memory_space<vmem>> -> memref<1x64xi32, #tpu.memory_space<vmem>>
    %dma_wait3A_601 = tpu.memref_squeeze %dma_wait3A_600 : memref<1x64xi32, #tpu.memory_space<vmem>> -> memref<64xi32, #tpu.memory_space<vmem>>
    %dma_wait3A_602 = arith.constant 0 : i32
    %dma_wait3A_603 = arith.constant 0 : i32
    %dma_wait3A_604 = tpu.memref_slice %arg2[%dma_wait3A_602, %dma_wait3A_603] : memref<10000x128xf32, #tpu.memory_space<hbm>> -> memref<10000x128xf32, #tpu.memory_space<hbm>>
    tpu.wait_indirect_dma semaphore(%arg14 : memref<!tpu.dma_semaphore, #tpu.memory_space<semaphore_mem>>) src(%dma_wait3A_604 : memref<10000x128xf32, #tpu.memory_space<hbm>>) dst(%arg9 : memref<64x128xf32, #tpu.memory_space<vmem>>)
    %dma_wait3A_605 = arith.constant 1 : i32
    %dma_wait3A_606 = arith.constant 0 : i32
    %dma_wait3A_607 = tpu.memref_slice %arg5[%dma_wait3A_605, %dma_wait3A_606] : memref<2x5120xi32, #tpu.memory_space<vmem>> -> memref<1x64xi32, #tpu.memory_space<vmem>>
    %dma_wait3A_608 = tpu.memref_squeeze %dma_wait3A_607 : memref<1x64xi32, #tpu.memory_space<vmem>> -> memref<64xi32, #tpu.memory_space<vmem>>
    %dma_wait3A_609 = arith.constant 0 : i32
    %dma_wait3A_610 = arith.constant 0 : i32
    %dma_wait3A_611 = tpu.memref_slice %arg10[%dma_wait3A_609, %dma_wait3A_610] : memref<10240x128xf32, #tpu.memory_space<vmem_shared>> -> memref<10240x128xf32, #tpu.memory_space<vmem_shared>>
    tpu.wait_indirect_dma semaphore(%arg17 : memref<!tpu.dma_semaphore, #tpu.memory_space<semaphore_mem>>) src(%arg8 : memref<64x128xf32, #tpu.memory_space<vmem>>) dst(%dma_wait3A_611 : memref<10240x128xf32, #tpu.memory_space<vmem_shared>>)
    %dma_start3A_612 = arith.constant 1 : i32
    %dma_start3A_613 = arith.constant 4800 : i32
    %dma_start3A_614 = tpu.memref_slice %arg5[%dma_start3A_612, %dma_start3A_613] : memref<2x5120xi32, #tpu.memory_space<vmem>> -> memref<1x64xi32, #tpu.memory_space<vmem>>
    %dma_start3A_615 = tpu.memref_squeeze %dma_start3A_614 : memref<1x64xi32, #tpu.memory_space<vmem>> -> memref<64xi32, #tpu.memory_space<vmem>>
    %dma_start3A_616 = arith.constant 0 : i32
    %dma_start3A_617 = arith.constant 0 : i32
    %dma_start3A_618 = tpu.memref_slice %arg10[%dma_start3A_616, %dma_start3A_617] : memref<10240x128xf32, #tpu.memory_space<vmem_shared>> -> memref<10240x128xf32, #tpu.memory_space<vmem_shared>>
    tpu.enqueue_indirect_dma source(%arg9 : memref<64x128xf32, #tpu.memory_space<vmem>>) target(%dma_start3A_618 : memref<10240x128xf32, #tpu.memory_space<vmem_shared>>) offsets(%dma_start3A_615 : memref<64xi32, #tpu.memory_space<vmem>>) semaphore(%arg18 : memref<!tpu.dma_semaphore, #tpu.memory_space<semaphore_mem>>) {add = true}
    %dma_wait3A_619 = arith.constant 1 : i32
    %dma_wait3A_620 = arith.constant 0 : i32
    %dma_wait3A_621 = tpu.memref_slice %arg5[%dma_wait3A_619, %dma_wait3A_620] : memref<2x5120xi32, #tpu.memory_space<vmem>> -> memref<1x64xi32, #tpu.memory_space<vmem>>
    %dma_wait3A_622 = tpu.memref_squeeze %dma_wait3A_621 : memref<1x64xi32, #tpu.memory_space<vmem>> -> memref<64xi32, #tpu.memory_space<vmem>>
    %dma_wait3A_623 = arith.constant 0 : i32
    %dma_wait3A_624 = arith.constant 0 : i32
    %dma_wait3A_625 = tpu.memref_slice %arg10[%dma_wait3A_623, %dma_wait3A_624] : memref<10240x128xf32, #tpu.memory_space<vmem_shared>> -> memref<10240x128xf32, #tpu.memory_space<vmem_shared>>
    tpu.wait_indirect_dma semaphore(%arg18 : memref<!tpu.dma_semaphore, #tpu.memory_space<semaphore_mem>>) src(%arg9 : memref<64x128xf32, #tpu.memory_space<vmem>>) dst(%dma_wait3A_625 : memref<10240x128xf32, #tpu.memory_space<vmem_shared>>)
    %mul3A_626 = arith.constant 2 : i32
    %mul3A_627 = arith.muli %arg1, %mul3A_626 : i32
    %add3A_628 = arith.addi %mul3A_627, %arg0 : i32
    %lt3A = arith.constant 4 : i32
    %lt3A_629 = arith.cmpi slt, %add3A_628, %lt3A : i32
    %convert_element_type3A = arith.extui %lt3A_629 : i1 to i32
    %cond3A = arith.constant 0 : i32
    %cond3A_630 = arith.cmpi ne, %convert_element_type3A, %cond3A : i32
    scf.if %cond3A_630 {
      %mul3A_636 = arith.constant 128 : i32
      %mul3A_637 = arith.muli %add3A_628, %mul3A_636 : i32
      %add3A_638 = arith.constant 319488 : i32
      %add3A_639 = arith.addi %add3A_638, %mul3A_637 : i32
      "tpu.region"() ({
        %run_scoped3A = tpu.sem_alloc : memref<!tpu.dma_semaphore, #tpu.memory_space<semaphore_mem>>
        %dma_start3A_696 = arith.constant 0 : i32
        %dma_start3A_697 = arith.constant 0 : i32
        %dma_start3A_698 = tpu.memref_slice %arg5[%dma_start3A_696, %dma_start3A_697] : memref<2x5120xi32, #tpu.memory_space<vmem>> -> memref<2x128xi32, #tpu.memory_space<vmem>>
        %dma_start3A_699 = arith.constant 0 : i32
        %dma_start3A_700 = tpu.memref_slice %arg3[%dma_start3A_699, %add3A_639] : memref<2x320000xi32, #tpu.memory_space<hbm>> -> memref<2x128xi32, #tpu.memory_space<hbm>>
        %dma_start3A_701 = arith.constant 0 : i32
        %dma_start3A_702 = arith.constant 0 : i32
        %dma_start3A_703 = tpu.memref_slice %arg5[%dma_start3A_701, %dma_start3A_702] : memref<2x5120xi32, #tpu.memory_space<vmem>> -> memref<2x128xi32, #tpu.memory_space<vmem>>
        %dma_start3A_704 = arith.constant 0 : i32
        %dma_start3A_705 = tpu.memref_slice %arg3[%dma_start3A_704, %add3A_639] : memref<2x320000xi32, #tpu.memory_space<hbm>> -> memref<2x128xi32, #tpu.memory_space<hbm>>
        tpu.enqueue_dma source(%dma_start3A_705 : memref<2x128xi32, #tpu.memory_space<hbm>>) target(%dma_start3A_703 : memref<2x128xi32, #tpu.memory_space<vmem>>) target_semaphore(%run_scoped3A : memref<!tpu.dma_semaphore, #tpu.memory_space<semaphore_mem>>)
        %dma_wait3A_706 = arith.constant 0 : i32
        %dma_wait3A_707 = arith.constant 0 : i32
        %dma_wait3A_708 = tpu.memref_slice %arg5[%dma_wait3A_706, %dma_wait3A_707] : memref<2x5120xi32, #tpu.memory_space<vmem>> -> memref<2x128xi32, #tpu.memory_space<vmem>>
        %dma_wait3A_709 = arith.constant 0 : i32
        %dma_wait3A_710 = tpu.memref_slice %arg3[%dma_wait3A_709, %add3A_639] : memref<2x320000xi32, #tpu.memory_space<hbm>> -> memref<2x128xi32, #tpu.memory_space<hbm>>
        %dma_wait3A_711 = arith.constant 0 : i32
        %dma_wait3A_712 = arith.constant 0 : i32
        %dma_wait3A_713 = tpu.memref_slice %arg5[%dma_wait3A_711, %dma_wait3A_712] : memref<2x5120xi32, #tpu.memory_space<vmem>> -> memref<2x128xi32, #tpu.memory_space<vmem>>
        %dma_wait3A_714 = arith.constant 0 : i32
        %dma_wait3A_715 = tpu.memref_slice %arg3[%dma_wait3A_714, %add3A_639] : memref<2x320000xi32, #tpu.memory_space<hbm>> -> memref<2x128xi32, #tpu.memory_space<hbm>>
        tpu.wait_dma2 semaphore(%run_scoped3A : memref<!tpu.dma_semaphore, #tpu.memory_space<semaphore_mem>>) src(%dma_wait3A_715 : memref<2x128xi32, #tpu.memory_space<hbm>>) dst(%dma_wait3A_713 : memref<2x128xi32, #tpu.memory_space<vmem>>)
        tpu.yield
      }) : () -> ()
      %dma_start3A_640 = arith.constant 0 : i32
      %dma_start3A_641 = arith.constant 0 : i32
      %dma_start3A_642 = tpu.memref_slice %arg5[%dma_start3A_640, %dma_start3A_641] : memref<2x5120xi32, #tpu.memory_space<vmem>> -> memref<1x64xi32, #tpu.memory_space<vmem>>
      %dma_start3A_643 = tpu.memref_squeeze %dma_start3A_642 : memref<1x64xi32, #tpu.memory_space<vmem>> -> memref<64xi32, #tpu.memory_space<vmem>>
      %dma_start3A_644 = arith.constant 0 : i32
      %dma_start3A_645 = arith.constant 0 : i32
      %dma_start3A_646 = tpu.memref_slice %arg2[%dma_start3A_644, %dma_start3A_645] : memref<10000x128xf32, #tpu.memory_space<hbm>> -> memref<10000x128xf32, #tpu.memory_space<hbm>>
      tpu.enqueue_indirect_dma source(%dma_start3A_646 : memref<10000x128xf32, #tpu.memory_space<hbm>>) target(%arg6 : memref<64x128xf32, #tpu.memory_space<vmem>>) offsets(%dma_start3A_643 : memref<64xi32, #tpu.memory_space<vmem>>) semaphore(%arg11 : memref<!tpu.dma_semaphore, #tpu.memory_space<semaphore_mem>>)
      %dma_start3A_647 = arith.constant 0 : i32
      %dma_start3A_648 = arith.constant 64 : i32
      %dma_start3A_649 = tpu.memref_slice %arg5[%dma_start3A_647, %dma_start3A_648] : memref<2x5120xi32, #tpu.memory_space<vmem>> -> memref<1x64xi32, #tpu.memory_space<vmem>>
      %dma_start3A_650 = tpu.memref_squeeze %dma_start3A_649 : memref<1x64xi32, #tpu.memory_space<vmem>> -> memref<64xi32, #tpu.memory_space<vmem>>
      %dma_start3A_651 = arith.constant 0 : i32
      %dma_start3A_652 = arith.constant 0 : i32
      %dma_start3A_653 = tpu.memref_slice %arg2[%dma_start3A_651, %dma_start3A_652] : memref<10000x128xf32, #tpu.memory_space<hbm>> -> memref<10000x128xf32, #tpu.memory_space<hbm>>
      tpu.enqueue_indirect_dma source(%dma_start3A_653 : memref<10000x128xf32, #tpu.memory_space<hbm>>) target(%arg7 : memref<64x128xf32, #tpu.memory_space<vmem>>) offsets(%dma_start3A_650 : memref<64xi32, #tpu.memory_space<vmem>>) semaphore(%arg12 : memref<!tpu.dma_semaphore, #tpu.memory_space<semaphore_mem>>)
      %dma_wait3A_654 = arith.constant 0 : i32
      %dma_wait3A_655 = arith.constant 0 : i32
      %dma_wait3A_656 = tpu.memref_slice %arg5[%dma_wait3A_654, %dma_wait3A_655] : memref<2x5120xi32, #tpu.memory_space<vmem>> -> memref<1x64xi32, #tpu.memory_space<vmem>>
      %dma_wait3A_657 = tpu.memref_squeeze %dma_wait3A_656 : memref<1x64xi32, #tpu.memory_space<vmem>> -> memref<64xi32, #tpu.memory_space<vmem>>
      %dma_wait3A_658 = arith.constant 0 : i32
      %dma_wait3A_659 = arith.constant 0 : i32
      %dma_wait3A_660 = tpu.memref_slice %arg2[%dma_wait3A_658, %dma_wait3A_659] : memref<10000x128xf32, #tpu.memory_space<hbm>> -> memref<10000x128xf32, #tpu.memory_space<hbm>>
      tpu.wait_indirect_dma semaphore(%arg11 : memref<!tpu.dma_semaphore, #tpu.memory_space<semaphore_mem>>) src(%dma_wait3A_660 : memref<10000x128xf32, #tpu.memory_space<hbm>>) dst(%arg6 : memref<64x128xf32, #tpu.memory_space<vmem>>)
      %dma_start3A_661 = arith.constant 1 : i32
      %dma_start3A_662 = arith.constant 0 : i32
      %dma_start3A_663 = tpu.memref_slice %arg5[%dma_start3A_661, %dma_start3A_662] : memref<2x5120xi32, #tpu.memory_space<vmem>> -> memref<1x64xi32, #tpu.memory_space<vmem>>
      %dma_start3A_664 = tpu.memref_squeeze %dma_start3A_663 : memref<1x64xi32, #tpu.memory_space<vmem>> -> memref<64xi32, #tpu.memory_space<vmem>>
      %dma_start3A_665 = arith.constant 0 : i32
      %dma_start3A_666 = arith.constant 0 : i32
      %dma_start3A_667 = tpu.memref_slice %arg10[%dma_start3A_665, %dma_start3A_666] : memref<10240x128xf32, #tpu.memory_space<vmem_shared>> -> memref<10240x128xf32, #tpu.memory_space<vmem_shared>>
      tpu.enqueue_indirect_dma source(%arg6 : memref<64x128xf32, #tpu.memory_space<vmem>>) target(%dma_start3A_667 : memref<10240x128xf32, #tpu.memory_space<vmem_shared>>) offsets(%dma_start3A_664 : memref<64xi32, #tpu.memory_space<vmem>>) semaphore(%arg15 : memref<!tpu.dma_semaphore, #tpu.memory_space<semaphore_mem>>) {add = true}
      %dma_wait3A_668 = arith.constant 0 : i32
      %dma_wait3A_669 = arith.constant 0 : i32
      %dma_wait3A_670 = tpu.memref_slice %arg5[%dma_wait3A_668, %dma_wait3A_669] : memref<2x5120xi32, #tpu.memory_space<vmem>> -> memref<1x64xi32, #tpu.memory_space<vmem>>
      %dma_wait3A_671 = tpu.memref_squeeze %dma_wait3A_670 : memref<1x64xi32, #tpu.memory_space<vmem>> -> memref<64xi32, #tpu.memory_space<vmem>>
      %dma_wait3A_672 = arith.constant 0 : i32
      %dma_wait3A_673 = arith.constant 0 : i32
      %dma_wait3A_674 = tpu.memref_slice %arg2[%dma_wait3A_672, %dma_wait3A_673] : memref<10000x128xf32, #tpu.memory_space<hbm>> -> memref<10000x128xf32, #tpu.memory_space<hbm>>
      tpu.wait_indirect_dma semaphore(%arg12 : memref<!tpu.dma_semaphore, #tpu.memory_space<semaphore_mem>>) src(%dma_wait3A_674 : memref<10000x128xf32, #tpu.memory_space<hbm>>) dst(%arg7 : memref<64x128xf32, #tpu.memory_space<vmem>>)
      %dma_start3A_675 = arith.constant 1 : i32
      %dma_start3A_676 = arith.constant 64 : i32
      %dma_start3A_677 = tpu.memref_slice %arg5[%dma_start3A_675, %dma_start3A_676] : memref<2x5120xi32, #tpu.memory_space<vmem>> -> memref<1x64xi32, #tpu.memory_space<vmem>>
      %dma_start3A_678 = tpu.memref_squeeze %dma_start3A_677 : memref<1x64xi32, #tpu.memory_space<vmem>> -> memref<64xi32, #tpu.memory_space<vmem>>
      %dma_start3A_679 = arith.constant 0 : i32
      %dma_start3A_680 = arith.constant 0 : i32
      %dma_start3A_681 = tpu.memref_slice %arg10[%dma_start3A_679, %dma_start3A_680] : memref<10240x128xf32, #tpu.memory_space<vmem_shared>> -> memref<10240x128xf32, #tpu.memory_space<vmem_shared>>
      tpu.enqueue_indirect_dma source(%arg7 : memref<64x128xf32, #tpu.memory_space<vmem>>) target(%dma_start3A_681 : memref<10240x128xf32, #tpu.memory_space<vmem_shared>>) offsets(%dma_start3A_678 : memref<64xi32, #tpu.memory_space<vmem>>) semaphore(%arg16 : memref<!tpu.dma_semaphore, #tpu.memory_space<semaphore_mem>>) {add = true}
      %dma_wait3A_682 = arith.constant 1 : i32
      %dma_wait3A_683 = arith.constant 0 : i32
      %dma_wait3A_684 = tpu.memref_slice %arg5[%dma_wait3A_682, %dma_wait3A_683] : memref<2x5120xi32, #tpu.memory_space<vmem>> -> memref<1x64xi32, #tpu.memory_space<vmem>>
      %dma_wait3A_685 = tpu.memref_squeeze %dma_wait3A_684 : memref<1x64xi32, #tpu.memory_space<vmem>> -> memref<64xi32, #tpu.memory_space<vmem>>
      %dma_wait3A_686 = arith.constant 0 : i32
      %dma_wait3A_687 = arith.constant 0 : i32
      %dma_wait3A_688 = tpu.memref_slice %arg10[%dma_wait3A_686, %dma_wait3A_687] : memref<10240x128xf32, #tpu.memory_space<vmem_shared>> -> memref<10240x128xf32, #tpu.memory_space<vmem_shared>>
      tpu.wait_indirect_dma semaphore(%arg15 : memref<!tpu.dma_semaphore, #tpu.memory_space<semaphore_mem>>) src(%arg6 : memref<64x128xf32, #tpu.memory_space<vmem>>) dst(%dma_wait3A_688 : memref<10240x128xf32, #tpu.memory_space<vmem_shared>>)
      %dma_wait3A_689 = arith.constant 1 : i32
      %dma_wait3A_690 = arith.constant 0 : i32
      %dma_wait3A_691 = tpu.memref_slice %arg5[%dma_wait3A_689, %dma_wait3A_690] : memref<2x5120xi32, #tpu.memory_space<vmem>> -> memref<1x64xi32, #tpu.memory_space<vmem>>
      %dma_wait3A_692 = tpu.memref_squeeze %dma_wait3A_691 : memref<1x64xi32, #tpu.memory_space<vmem>> -> memref<64xi32, #tpu.memory_space<vmem>>
      %dma_wait3A_693 = arith.constant 0 : i32
      %dma_wait3A_694 = arith.constant 0 : i32
      %dma_wait3A_695 = tpu.memref_slice %arg10[%dma_wait3A_693, %dma_wait3A_694] : memref<10240x128xf32, #tpu.memory_space<vmem_shared>> -> memref<10240x128xf32, #tpu.memory_space<vmem_shared>>
      tpu.wait_indirect_dma semaphore(%arg16 : memref<!tpu.dma_semaphore, #tpu.memory_space<semaphore_mem>>) src(%arg7 : memref<64x128xf32, #tpu.memory_space<vmem>>) dst(%dma_wait3A_695 : memref<10240x128xf32, #tpu.memory_space<vmem_shared>>)
    } else {
    }
    %barrier3A_631 = arith.constant 0 : index
    tpu.barrier barrier_id(%barrier3A_631)
    %mul3A_632 = arith.constant 640 : i32
    %mul3A_633 = arith.muli %arg1, %mul3A_632 : i32
    %mul3A_634 = arith.constant 640 : i32
    %mul3A_635 = arith.muli %arg1, %mul3A_634 : i32
    "tpu.region"() ({
      %run_scoped3A = tpu.sem_alloc : memref<!tpu.dma_semaphore, #tpu.memory_space<semaphore_mem>>
      %dma_start3A_636 = arith.constant 0 : i32
      %dma_start3A_637 = tpu.memref_slice %arg4[%arg0, %mul3A_635, %dma_start3A_636] : memref<2x10240x128xf32, #tpu.memory_space<hbm>> -> memref<1x640x128xf32, #tpu.memory_space<hbm>>
      %dma_start3A_638 = tpu.memref_squeeze %dma_start3A_637 : memref<1x640x128xf32, #tpu.memory_space<hbm>> -> memref<640x128xf32, #tpu.memory_space<hbm>>
      %dma_start3A_639 = arith.constant 0 : i32
      %dma_start3A_640 = tpu.memref_slice %arg10[%mul3A_633, %dma_start3A_639] : memref<10240x128xf32, #tpu.memory_space<vmem_shared>> -> memref<640x128xf32, #tpu.memory_space<vmem_shared>>
      tpu.enqueue_dma source(%dma_start3A_640 : memref<640x128xf32, #tpu.memory_space<vmem_shared>>) target(%dma_start3A_638 : memref<640x128xf32, #tpu.memory_space<hbm>>) target_semaphore(%run_scoped3A : memref<!tpu.dma_semaphore, #tpu.memory_space<semaphore_mem>>)
      %dma_wait3A_641 = arith.constant 0 : i32
      %dma_wait3A_642 = tpu.memref_slice %arg4[%arg0, %mul3A_635, %dma_wait3A_641] : memref<2x10240x128xf32, #tpu.memory_space<hbm>> -> memref<1x640x128xf32, #tpu.memory_space<hbm>>
      %dma_wait3A_643 = tpu.memref_squeeze %dma_wait3A_642 : memref<1x640x128xf32, #tpu.memory_space<hbm>> -> memref<640x128xf32, #tpu.memory_space<hbm>>
      %dma_wait3A_644 = arith.constant 0 : i32
      %dma_wait3A_645 = tpu.memref_slice %arg10[%mul3A_633, %dma_wait3A_644] : memref<10240x128xf32, #tpu.memory_space<vmem_shared>> -> memref<640x128xf32, #tpu.memory_space<vmem_shared>>
      tpu.wait_dma2 semaphore(%run_scoped3A : memref<!tpu.dma_semaphore, #tpu.memory_space<semaphore_mem>>) src(%dma_wait3A_645 : memref<640x128xf32, #tpu.memory_space<vmem_shared>>) dst(%dma_wait3A_643 : memref<640x128xf32, #tpu.memory_space<hbm>>)
      tpu.yield
    }) : () -> ()
    return
  }
}

module attributes {stable_mosaic.version = 14 : i64} {
  func.func @_combine_body(%arg0: i32, %arg1: memref<1x2000x128xf32, #tpu.memory_space<vmem>>, %arg2: memref<1x2000x128xf32, #tpu.memory_space<vmem>>, %arg3: memref<2000x128xf32, #tpu.memory_space<vmem>>) attributes {dimension_semantics = [#tpu.dimension_semantics<arbitrary>], iteration_bounds = array<i64: 5>, scalar_prefetch = 0 : i64, scratch_operands = 0 : i64, tpu.core_type = #tpu.core_type<tc>, window_params = [{transform_indices = @transform_0, window_bounds = array<i64: 1, 2000, 128>}, {transform_indices = @transform_1, window_bounds = array<i64: 1, 2000, 128>}, {transform_indices = @transform_2, window_bounds = array<i64: 2000, 128>}]} {
    %get3A = arith.constant 0 : index
    %get3A_0 = arith.constant 0 : index
    %get3A_1 = arith.constant 0 : index
    %get3A_2 = vector.load %arg1[%get3A, %get3A_0, %get3A_1] : memref<1x2000x128xf32, #tpu.memory_space<vmem>>, vector<1x2000x128xf32>
    %get3A_3 = vector.shape_cast %get3A_2 : vector<1x2000x128xf32> to vector<2000x128xf32>
    %get3A_4 = arith.constant 0 : index
    %get3A_5 = arith.constant 0 : index
    %get3A_6 = arith.constant 0 : index
    %get3A_7 = vector.load %arg2[%get3A_4, %get3A_5, %get3A_6] : memref<1x2000x128xf32, #tpu.memory_space<vmem>>, vector<1x2000x128xf32>
    %get3A_8 = vector.shape_cast %get3A_7 : vector<1x2000x128xf32> to vector<2000x128xf32>
    %add3A = arith.addf %get3A_3, %get3A_8 : vector<2000x128xf32>
    %swap3A = arith.constant 0 : index
    %swap3A_9 = arith.constant 0 : index
    %swap3A_10 = vector.load %arg3[%swap3A, %swap3A_9] : memref<2000x128xf32, #tpu.memory_space<vmem>>, vector<2000x128xf32>
    tpu.vector_store %arg3[%swap3A, %swap3A_9], %add3A {strides = array<i32>} : memref<2000x128xf32, #tpu.memory_space<vmem>>, vector<2000x128xf32>,
    return
  }
  func.func @transform_0(%arg0: i32) -> (i32, i32, i32) {
    %c0_i32 = arith.constant 0 : i32
    %c0_i32_0 = arith.constant 0 : i32
    %c0_i32_1 = arith.constant 0 : i32
    return %c0_i32, %arg0, %c0_i32_0 : i32, i32, i32
  }
  func.func @transform_1(%arg0: i32) -> (i32, i32, i32) {
    %c1_i32 = arith.constant 1 : i32
    %c0_i32 = arith.constant 0 : i32
    %c0_i32_0 = arith.constant 0 : i32
    return %c1_i32, %arg0, %c0_i32 : i32, i32, i32
  }
  func.func @transform_2(%arg0: i32) -> (i32, i32) {
    %c0_i32 = arith.constant 0 : i32
    %c0_i32_0 = arith.constant 0 : i32
    return %arg0, %c0_i32 : i32, i32
  }
}

</mosaic_0001>

<sc_bundles>
// kernel: kernel.4.cloned.1.call-start
scs
__scs_entry_jumppad:
0x0: {  	(pc) =	sbr.rel $0x88, $3  }
0x1: {  	(tag) =	ssettag $0x0;
	lr =	simm.s32 $0x1  }
0x2: {  	[smem:$0x3F9F] =	sst lr;
	_ =	strace $0xD0000000  }
0x3: {  	_ = 	snop  }
0x4: {  	_ = 	snop  }
0x5: {  	_ = 	snop  }
0x6: {  	_ = 	snop  }
0x7: {  	_ = 	snop  }
__scs_overlays_trampoline_lowered:
0x8: {  	[smem:$0x3FAE] =	sst s0  }
0x9: {  	[smem:$0x3FAF] =	sst s1  }
0xa: {  	[smem:$0x3FB0] =	sst s2  }
0xb: {  	[smem:$0x3FB1] =	sst s3  }
0xc: {  	[smem:$0x3FB2] =	sst s4  }
0xd: {  	[smem:$0x3FB3] =	sst s5  }
0xe: {  	[smem:$0x3FB4] =	sst s6  }
0xf: {  	[smem:$0x3FB5] =	sst s7  }
0x10: {  	[smem:$0x3FB6] =	sst s8  }
0x11: {  	[smem:$0x3FB7] =	sst s9;
	s0 =	simm.s32 @!p0 $0x0  }
0x12: {  	s1 =	sld [smem:$0x3F9D];
	s0 =	simm.s32 @p0 $0x1  }
0x13: {  	[smem:$0x3FB8] =	sst s0;
	s0 =	simm.s32 @!p1 $0x0  }
0x14: {  	s2 =	sld [smem:$0x3F9C];
	s0 =	simm.s32 @p1 $0x1  }
0x15: {  	[smem:$0x3FB9] =	sst s0;
	s0 =	simm.s32 @!p2 $0x0  }
0x16: {  	s3 =	sld [smem:$0x3FDB];
	s0 =	simm.s32 @p2 $0x1  }
0x17: {  	s4 =	simm.s32 $0x1BF5;
	[smem:$0x3FBB] =	sst s0  }
0x18: {  	s0 =	sld [smem:$0x3F9E];
	_ =	swait.ge [sflag:s4], $0x0  }
0x19: {  	s7 =	sld [smem:$0x3F9F]  }
0x1a: {  	s8 =	sadd.s32 $0xFFFFE003, lr  }
0x1b: {  	s9 =	sadd.s32 $0xFFFFFEF7, lr;
	s5 =	simm.s32 $0xFFFFFFFF;
	p2 =	slt.u32 s8, $0xFFFFF086  }
0x1c: {  	p1 =	slt.u32 s9, $0xF7A;
	s5 =	simm.s32 @!p2 $0x0  }
0x1d: {  	s5 =	simm.s32 @p1 $0x1;
	p0 =	seq.s32 s7, s2  }
0x1e: {  	s7 =	smul.u32 @!p0 $0xF7A, s2;
	p2 =	seq.s32 @!p0 s5, $0x0  }
0x1f: {  	s9 =	smul.u32 $0xF7A, s1;
	s8 =	simm.s32 @!p0 $0x1BF5;
	p2 =	por !p2, p0  }
0x20: {  	[sflag:s8] =	ssyncset.s32 @!p0 $0xFFFFF086;
	s6 =	sadd.s32 @!p0 s3, s7;
	s7 =	simm.s32 @!p0 $0x108  }
0x21: {  	s3 =	sadd.s32 s3, s9;
	s6 =	sadd.s32 @!p0 $0x88, s6;
	s7 =	simm.s32 @p2 $0x1082  }
0x22: {  	[simem:s7], [sflag:s8] =	dma.local @!p0 [hbm:s6], $0xF7A  }
0x23: {  	s9 =	sor.u32 $0xD0000000, s2;
	s6 =	simm.s32 $0x108;
	_ =	swait.ge @!p0 [sflag:s8], $0x0  }
0x24: {  	s3 =	sadd.s32 $0x88, s3;
	s6 =	simm.s32 @!p1 $0x1082;
	[sflag:s4] =	ssyncset.s32 $0xFFFFF086  }
0x25: {  	[simem:s6], [sflag:s4] =	dma.local [hbm:s3], $0xF7A  }
0x26: {  	[smem:$0x3F9F] =	sst s1;
	(tag) =	ssettag s2;
	_ =	strace s9  }
0x27: {  	s1 =	sld [smem:$0x3FAF]  }
0x28: {  	s2 =	sld [smem:$0x3FB0]  }
0x29: {  	s4 =	sld [smem:$0x3FB2]  }
0x2a: {  	p0 =	seq.s32 s5, $0x0;
	s5 =	sld [smem:$0x3FB3]  }
0x2b: {  	s6 =	sld [smem:$0x3FB4]  }
0x2c: {  	s7 =	sld [smem:$0x3FB5]  }
0x2d: {  	s3 =	simm.s32 $0x108;
	s8 =	sld [smem:$0x3FB6]  }
0x2e: {  	s3 =	simm.s32 @!p0 $0x1082;
	s9 =	sld [smem:$0x3FB7]  }
0x2f: {  	lr =	sadd.s32 s0, s3;
	s0 =	sld [smem:$0x3FAE]  }
0x30: {  	s3 =	sld [smem:$0x3FB1]  }
0x31: {  	[smem:$0x3FBA] =	sst s10  }
0x32: {  	s10 =	sld [smem:$0x3FB8];
	_ =	sdelay $0x3  }
0x33: {  	p0 =	seq.s32 s10, $0x1;
	s10 =	sld [smem:$0x3FBA];
	_ =	sdelay $0x3  }
0x34: {  	[smem:$0x3FBA] =	sst s10  }
0x35: {  	s10 =	sld [smem:$0x3FB9];
	_ =	sdelay $0x3  }
0x36: {  	p1 =	seq.s32 s10, $0x1;
	s10 =	sld [smem:$0x3FBA];
	_ =	sdelay $0x3  }
0x37: {  	[smem:$0x3FBA] =	sst s10  }
0x38: {  	s10 =	sld [smem:$0x3FBB]  }
0x39: {  	_ = 	snop;
	(pc) =	sbr.ind lr, $3  }
0x3a: {  	_ = 	snop  }
0x3b: {  	_ = 	snop  }
0x3c: {  	p2 =	seq.s32 s10, $0x1;
	s10 =	sld [smem:$0x3FBA]  }
0x3d: {  	_ =	shalt  }
0x3e: {  	_ =	shalt  }
0x3f: {  	_ =	shalt  }
0x40: {  	_ =	shalt  }
0x41: {  	_ =	shalt  }
0x42: {  	_ =	shalt  }
0x43: {  	_ =	shalt  }
0x44: {  	_ =	shalt  }
0x45: {  	_ =	shalt  }
0x46: {  	_ =	shalt  }
0x47: {  	_ =	shalt  }
0x48: {  	_ =	shalt  }
0x49: {  	_ =	shalt  }
0x4a: {  	_ =	shalt  }
0x4b: {  	_ =	shalt  }
0x4c: {  	_ =	shalt  }
0x4d: {  	_ =	shalt  }
0x4e: {  	_ =	shalt  }
0x4f: {  	_ =	shalt  }
0x50: {  	_ =	shalt  }
0x51: {  	_ =	shalt  }
0x52: {  	_ =	shalt  }
0x53: {  	_ =	shalt  }
0x54: {  	_ =	shalt  }
0x55: {  	_ =	shalt  }
0x56: {  	_ =	shalt  }
0x57: {  	_ =	shalt  }
0x58: {  	_ =	shalt  }
0x59: {  	_ =	shalt  }
0x5a: {  	_ =	shalt  }
0x5b: {  	_ =	shalt  }
0x5c: {  	_ =	shalt  }
0x5d: {  	_ =	shalt  }
0x5e: {  	_ =	shalt  }
0x5f: {  	_ =	shalt  }
0x60: {  	_ =	shalt  }
0x61: {  	_ =	shalt  }
0x62: {  	_ =	shalt  }
0x63: {  	_ =	shalt  }
0x64: {  	_ =	shalt  }
0x65: {  	_ =	shalt  }
0x66: {  	_ =	shalt  }
0x67: {  	_ =	shalt  }
0x68: {  	_ =	shalt  }
0x69: {  	_ =	shalt  }
0x6a: {  	_ =	shalt  }
0x6b: {  	_ =	shalt  }
0x6c: {  	_ =	shalt  }
0x6d: {  	_ =	shalt  }
0x6e: {  	_ =	shalt  }
0x6f: {  	_ =	shalt  }
0x70: {  	_ =	shalt  }
0x71: {  	_ =	shalt  }
0x72: {  	_ =	shalt  }
0x73: {  	_ =	shalt  }
0x74: {  	_ =	shalt  }
0x75: {  	_ =	shalt  }
0x76: {  	_ =	shalt  }
0x77: {  	_ =	shalt  }
0x78: {  	_ =	shalt  }
0x79: {  	_ =	shalt  }
0x7a: {  	_ =	shalt  }
0x7b: {  	_ =	shalt  }
0x7c: {  	_ =	shalt  }
0x7d: {  	_ =	shalt  }
0x7e: {  	_ =	shalt  }
0x7f: {  	_ =	shalt  }
0x80: {  	_ =	shalt  }
0x81: {  	_ =	shalt  }
0x82: {  	_ =	shalt  }
0x83: {  	_ =	shalt  }
0x84: {  	_ =	shalt  }
0x85: {  	_ =	shalt  }
0x86: {  	_ =	shalt  }
0x87: {  	_ =	shalt  }
.Lfunc_end0:
.L_simem_size_0:
called_computation_lowered:
.L_overlay_start_0:
0x88: {  	s2 =	sld [smem:$0x3FD9]  }
0x89: {  	s3 =	sld [smem:$0x3FFE];
	_ =	sdelay $0x1  }
0x8a: {  	s1 =	srdreg.scid  }
0x8b: {  	s0 =	sand.u32 $0x1, s1  }
0x8c: {  	s17 =	sshll.u32 s0, $0xA;
	s2 =	sadd.s32 s3, s2  }
0x8d: {  	s2 =	sadd.s32 s2, s17  }
0x8e: {  	[smem:$0x3FC6] =	sst s2  }
0x8f: {  	_ = 	snop  }
0x90: {  	s2 =	sld [smem:$0x3FC9]  }
0x91: {  	s18 =	sld [smem:$0x3FC8];
	(tm) =	ssettm $0x1  }
0x92: {  	s4 =	sld [smem:$0x3FFB];
	_ =	sdelay $0x3  }
0x93: {  	_ =	strace s4  }
0x94: {  	s4 =	sld [smem:$0x3FFC];
	_ =	sdelay $0x3  }
0x95: {  	_ =	strace s4  }
0x96: {  	s4 =	sld [smem:$0x3FFD];
	_ =	sdelay $0x3  }
0x97: {  	_ =	strace s4  }
0x98: {  	_ =	strace $0x8FFFFFFF  }
0x99: {  	s19 =	sld [smem:$0x3FDB];
	_ =	sdelay $0x1  }
0x9a: {  	s5 =	simm.s32 $_scs_section_size  }
0x9b: {  	s6 =	simm.s32 $_size__tile_overlayer_lowered;
	s7 =	simm.s32 $_tile_overlayer_lowered  }
0x9c: {  	s22 =	simm.s32 $0x1BFF;
	s21 =	sshll.u32 s7, $0x1;
	s4 =	sadd.s32 s5, s19  }
0x9d: {  	s8 =	simm.s32 $0x0;
	s20 =	sshll.u32 s6, $0x1;
	s6 =	sadd.s32 s21, s4  }
0x9e: {  	[timem:s8], [sflag:s22] =	dma.local [hbm:s6], s20  }
0x9f: {  	_ =	swait.ge [sflag:s22], s20  }
0xa0: {  	s5 =	ssub.s32 $0x0, s20;
	[sflag:s22] =	ssyncset.done $0x0  }
0xa1: {  	[sflag:s22] =	ssyncadd.s32 s5;
	_ =	sdelay $0x1  }
0xa2: {  	s23 =	simm.s32 $0x1B8B  }
0xa3: {  	_ =	swait.ge [sflag:s23], $0x1  }
0xa4: {  	[sflag:s23] =	ssyncset.done $0x0  }
0xa5: {  	s25 =	simm.s32 $0x1B8E;
	s24 =	sld [smem:$0x3FFE];
	[sflag:s23] =	ssyncadd.s32 $0xFFFFFFFF  }
0xa6: {  	s26 =	simm.s32 $execute0_lowered;
	[smem:$0x3FD2] =	sst s25  }
0xa7: {  	s6 =	sshll.u32 s26, $0x1;
	_ =	strace $0x80000046;
	[dreg:$0x1] =	wrdreg $0xFFFFFFFF  }
0xa8: {  	s28 =	simm.s32 $_size_execute0_lowered;
	s4 =	sadd.s32 s4, s6;
	[dreg:$0x0] =	wrdreg $0x0  }
0xa9: {  	s6 =	sshll.u32 s28, $0x1;
	[dreg:$0x2] =	wrdreg s4  }
0xaa: {  	[dreg:$0x3] =	wrdreg s6  }
0xab: {  	[dreg:$0x4] =	wrdreg $0xC0  }
0xac: {  	_ =	task [dreg:s8], $0x5FFFF  }
0xad: {  	[dreg:$0x1] =	wrdreg $0xFFFFFFFF  }
0xae: {  	[dreg:$0x0] =	wrdreg $0x60  }
0xaf: {  	[dreg:$0x2] =	wrdreg s2  }
0xb0: {  	[dreg:$0x3] =	wrdreg s18  }
0xb1: {  	[dreg:$0x4] =	wrdreg s24  }
0xb2: {  	[dreg:$0x5] =	wrdreg $0xA8000  }
0xb3: {  	[dreg:$0x6] =	wrdreg $0x9  }
0xb4: {  	_ =	task.clear_ibuf [dreg:s8], $0x7FFFF;
	_ =	strace $0x90000046  }
0xb5: {  	s29 =	simm.s32 $0x9;
	_ =	strace $0x80000048  }
0xb6: {  	_ =	swait.ge [sflag:s29], $0x1  }
0xb7: {  	[sflag:s29] =	ssyncadd.s32 $0xFFFFFFFF  }
0xb8: {  	_ =	strace $0x90000048  }
0xb9: {  	_ =	sfence  }
0xba: {  	s30 =	sld [smem:$0x0];
	_ =	sdelay $0x2  }
0xbb: {  	s31 =	sshll.u32 s1, $0xD;
	s1 =	sshrl.u32 s1, $0x2  }
0xbc: {  	s3 =	sand.u32 $0x4000, s31;
	s1 =	sadd.s32 s1, s30  }
0xbd: {  	s0 =	sor.u32 s3, s0;
	s1 =	sshll.u32 s1, $0x11  }
0xbe: {  	s0 =	sor.u32 s1, s0  }
0xbf: {  	s0 =	sadd.s32 $0x8F2B, s0  }
0xc0: {  	[sflag:s0] =	ssyncadd.remote.s32 $0x1  }
0xc1: {  	_ =	sfence.sel $0xFFFF  }
0xc2: {  	[dreg:$0x0] =	wrdreg $0xFFFFFFFF;
	(pc) =	sbr.abs _section_cstart, $3  }
0xc3: {  	[dreg:$0x1] =	wrdreg $0xFFFFFFFF  }
0xc4: {  	_ =	task.clear_ibuf [dreg:s8], $0x2FFFF;
	_ =	strace $0x9FFFFFFF  }
0xc5: {  	(tm) =	ssettm $0x7FFFFFFF  }
tec
execute0_lowered:
.L_overlay_start_1:
0x0: {  	(tag) =	ssettag $0x1  }
0x1: {  	s1 =	rddreg [dreg:$0x0]  }
0x2: {  	s0 =	rddreg [dreg:$0x1]  }
0x3: {  	s3 =	rddreg [dreg:$0x2]  }
0x4: {  	s2 =	rddreg [dreg:$0x3];
	s4 =	srdreg.scid  }
0x5: {  	s6 =	simm.s32 $0x0;
	s10 =	stileid.u32;
	s28 =	simm.s32 $0x6800  }
0x6: {  	s29 =	simm.s32 $0x9;
	s30 =	simm.s32 $0x1;
	s12 =	smul.u32 $0x14000, s10  }
0x7: {  	s11 =	simm.s32 $0x180;
	s4 =	sand.u32 $0x1, s4;
	s13 =	smul.u32 $0x50000, s10  }
0x8: {  	[smem:$0x7FF] =	sst s6;
	p0 =	sgt.u32 s10, $0x1;
	s5 =	smul.u32 $0x140000, s4  }
0x9: {  	_ =	strace $0x80000047;
	s7 =	sshll.u32 s4, $0x4;
	s8 =	ssub.s32 $0x2, s4  }
0xa: {  	s4 =	sshll.u32 s4, $0x5;
	s7 =	sor.u32 s10, s7;
	s6 =	sshrl.u32 s13, $0x2  }
0xb: {  	s14 =	sshrl.u32 s8, $0x1;
	s4 =	sadd.s32 s4, s0;
	s6 =	sadd.s32 s6, s2  }
0xc: {  	s13 =	simm.s32 $0x7;
	s5 =	sadd.s32 s12, s5;
	s16 =	sadd.s32 $0x2000, s6  }
0xd: {  	s9 =	smul.u32 $0x9C0, s7;
	s17 =	sadd.s32 $0x4000, s6;
	[dreg:$0x6] =	wrdreg s16  }
0xe: {  	s7 =	smul.u32 $0x4E00, s7;
	s18 =	sadd.s32 $0x6000, s6;
	[dreg:$0x7] =	wrdreg s17  }
0xf: {  	s12 =	simm.s32 $0x4;
	s19 =	sadd.s32 $0x8000, s6;
	[dreg:$0x8] =	wrdreg s18  }
0x10: {  	s5 =	sshrl.u32 s5, $0x3;
	s20 =	sadd.s32 $0xA000, s6;
	[dreg:$0x9] =	wrdreg s19  }
0x11: {  	s21 =	sadd.s32 $0xC000, s6;
	s22 =	sadd.s32 $0xE000, s6;
	[dreg:$0xa] =	wrdreg s20  }
0x12: {  	s23 =	sadd.s32 $0x10000, s6;
	s24 =	sadd.s32 $0x12000, s6;
	[dreg:$0xb] =	wrdreg s21  }
0x13: {  	s3 =	sadd.s32 s5, s3;
	s5 =	ssub.s32 s8, s14;
	[dreg:$0xc] =	wrdreg s22  }
0x14: {  	s15 =	sadd.s32 s0, s9;
	s7 =	sshrl.u32 s7, $0x3;
	[dreg:$0xd] =	wrdreg s23  }
0x15: {  	s14 =	sshll.u32 s10, $0x6;
	[dreg:$0xe] =	wrdreg s24;
	s21 =	simm.s32 $0x8800  }
0x16: {  	s22 =	simm.s32 $0xA;
	s23 =	simm.s32 $0x40;
	s24 =	simm.s32 $0x2800  }
0x17: {  	s8 =	simm.s32 $0x3;
	s9 =	simm.s32 $0x6;
	s10 =	simm.s32 $0x240  }
0x18: {  	s16 =	simm.s32 $0x1C0;
	s17 =	simm.s32 $0x8;
	s18 =	simm.s32 $0xB  }
0x19: {  	[dreg:$0x5] =	wrdreg s15;
	s0 =	sadd.s32 s0, s7;
	s4 =	sadd.s32 s14, s4  }
0x1a: {  	s26 =	sadd.s32 $0x600, s3;
	s31 =	smax.u32 s5, $0x1;
	s3 =	simm.s32 $0x2  }
0x1b: {  	s5 =	simm.s32 $0x200;
	s7 =	simm.s32 $0xC0;
	[dreg:$0x11] =	wrdreg s26  }
0x1c: {  	s15 =	simm.s32 $0x300;
	s0 =	sadd.s32 $0x500, s0;
	[dreg:$0x12] =	wrdreg s31  }
0x1d: {  	s25 =	sadd.s32 $0x13800, s4;
	s4 =	simm.s32 $0x5;
	[dreg:$0xf] =	wrdreg s0  }
0x1e: {  	v0 =	vimm.f32 $0.0e+00;
	s26 =	simm.s32 $0x0;
	[dreg:$0x10] =	wrdreg s25;
	s25 =	simm.s32 $0x4800  }
.LBB2_1:
0x1f: {  	s0 =	simm.s32 $0x0;
	s19 =	rddreg [dreg:$0x5]  }
0x20: {  	[tilespmem:s0], [sflag:$0xA] =	stream.linear.gather [hbm4b:s19+s0], $0x2800, $0x38;
	[tilespmem:$0x1E800] =	vst v63  }
0x21: {  	s20 =	simm.s32 $0x200;
	s19 =	simm.s32 $0x0  }
.LBB2_2:
0x22: {  	p1 =	sne.s32 s20, $0x7E00;
	[tilespmem:s19+$0x8870] =	vst v0  }
0x23: {  	[tilespmem:s19+$0x8800] =	vst v0  }
0x24: {  	[tilespmem:s19+$0x8810] =	vst v0  }
.Ltmp0:
0x25: {  	[tilespmem:s19+$0x8820] =	vst v0;
	(pc) =	sbr.rel @p1 .LBB2_2-.Ltmp0, $4  }
0x26: {  	[tilespmem:s19+$0x8830] =	vst v0  }
0x27: {  	[tilespmem:s19+$0x8840] =	vst v0  }
0x28: {  	[tilespmem:s19+$0x8850] =	vst v0  }
0x29: {  	[tilespmem:s19+$0x8860] =	vst v0;
	s19 =	sshra.s32 s20, $0x2;
	s20 =	sadd.s32 $0x200, s20  }
0x2a: {  	[tilespmem:s19+$0x8870] =	vst v0  }
0x2b: {  	[tilespmem:s19+$0x8800] =	vst v0  }
0x2c: {  	[tilespmem:s19+$0x8810] =	vst v0  }
0x2d: {  	[tilespmem:s19+$0x8820] =	vst v0  }
0x2e: {  	[tilespmem:s19+$0x8830] =	vst v0  }
0x2f: {  	[tilespmem:s19+$0x8840] =	vst v0  }
0x30: {  	[tilespmem:s19+$0x8850] =	vst v0  }
0x31: {  	[tilespmem:s19+$0x8860] =	vst v0  }
0x32: {  	[spmem:s6] =	stream.linear.scatter [tilespmem:s21], [sflag:$0x9], $0x2000, $0x38;
	[tilespmem:$0x1E800] =	vst v63  }
0x33: {  	s0 =	rddreg [dreg:$0x6]  }
0x34: {  	[spmem:s0] =	stream.linear.scatter [tilespmem:s21], [sflag:$0x9], $0x2000, $0x38;
	[tilespmem:$0x1E800] =	vst v63  }
0x35: {  	s31 =	rddreg [dreg:$0x7]  }
0x36: {  	[spmem:s31] =	stream.linear.scatter [tilespmem:s21], [sflag:$0x9], $0x2000, $0x38;
	[tilespmem:$0x1E800] =	vst v63  }
0x37: {  	s19 =	rddreg [dreg:$0x8]  }
0x38: {  	[spmem:s19] =	stream.linear.scatter [tilespmem:s21], [sflag:$0x9], $0x2000, $0x38;
	[tilespmem:$0x1E800] =	vst v63  }
0x39: {  	s20 =	rddreg [dreg:$0x9]  }
0x3a: {  	[spmem:s20] =	stream.linear.scatter [tilespmem:s21], [sflag:$0x9], $0x2000, $0x38;
	[tilespmem:$0x1E800] =	vst v63  }
0x3b: {  	s31 =	rddreg [dreg:$0xa]  }
0x3c: {  	[spmem:s31] =	stream.linear.scatter [tilespmem:s21], [sflag:$0x9], $0x2000, $0x38;
	[tilespmem:$0x1E800] =	vst v63  }
0x3d: {  	s19 =	rddreg [dreg:$0xb]  }
0x3e: {  	[spmem:s19] =	stream.linear.scatter [tilespmem:s21], [sflag:$0x9], $0x2000, $0x38;
	[tilespmem:$0x1E800] =	vst v63  }
0x3f: {  	s20 =	rddreg [dreg:$0xc]  }
0x40: {  	[spmem:s20] =	stream.linear.scatter [tilespmem:s21], [sflag:$0x9], $0x2000, $0x38;
	[tilespmem:$0x1E800] =	vst v63  }
0x41: {  	s31 =	rddreg [dreg:$0xd]  }
0x42: {  	[spmem:s31] =	stream.linear.scatter [tilespmem:s21], [sflag:$0x9], $0x2000, $0x38;
	[tilespmem:$0x1E800] =	vst v63  }
0x43: {  	s19 =	rddreg [dreg:$0xe]  }
0x44: {  	[spmem:s19] =	stream.linear.scatter [tilespmem:s21], [sflag:$0x9], $0x2000, $0x38;
	[tilespmem:$0x1E800] =	vst v63  }
0x45: {  	_ =	swait.ge [sflag:s22], $0x2800  }
0x46: {  	[sflag:s22] =	ssyncset.done $0x0  }
0x47: {  	s20 =	simm.s32 $0x0;
	[sflag:s22] =	ssyncadd.s32 $0xFFFFD800  }
0x48: {  	[tilespmem:s24], [sflag:$0x1] =	stream.indirect.gather [hbm4b:s1+s23], $0x80, s20, s23, $0xb8;
	[tilespmem:$0x1E800] =	vst v63  }
0x49: {  	_ = 	snop  }
0x4a: {  	[tilespmem:s25], [sflag:$0x2] =	stream.indirect.gather [hbm4b:s1+s23], $0x80, s23, s23, $0xb8;
	[tilespmem:$0x1E800] =	vst v63  }
0x4b: {  	s31 =	simm.s32 $0x100  }
0x4c: {  	[tilespmem:s28], [sflag:$0x3] =	stream.indirect.gather [hbm4b:s1+s23], $0x80, s31, s23, $0xb8;
	[tilespmem:$0x1E800] =	vst v63  }
0x4d: {  	_ =	swait.ge [sflag:s29], $0x2000  }
0x4e: {  	[sflag:s29] =	ssyncset.done $0x0  }
0x4f: {  	[sflag:s29] =	ssyncadd.s32 $0xFFFFE000  }
0x50: {  	_ =	swait.ge [sflag:s29], $0x2000  }
0x51: {  	[sflag:s29] =	ssyncset.done $0x0  }
0x52: {  	[sflag:s29] =	ssyncadd.s32 $0xFFFFE000  }
0x53: {  	_ =	swait.ge [sflag:s29], $0x2000  }
0x54: {  	[sflag:s29] =	ssyncset.done $0x0  }
0x55: {  	[sflag:s29] =	ssyncadd.s32 $0xFFFFE000  }
0x56: {  	_ =	swait.ge [sflag:s29], $0x2000  }
0x57: {  	[sflag:s29] =	ssyncset.done $0x0  }
0x58: {  	[sflag:s29] =	ssyncadd.s32 $0xFFFFE000  }
0x59: {  	_ =	swait.ge [sflag:s29], $0x2000  }
0x5a: {  	[sflag:s29] =	ssyncset.done $0x0  }
0x5b: {  	[sflag:s29] =	ssyncadd.s32 $0xFFFFE000  }
0x5c: {  	_ =	swait.ge [sflag:s29], $0x2000  }
0x5d: {  	[sflag:s29] =	ssyncset.done $0x0  }
0x5e: {  	[sflag:s29] =	ssyncadd.s32 $0xFFFFE000  }
0x5f: {  	_ =	swait.ge [sflag:s29], $0x2000  }
0x60: {  	[sflag:s29] =	ssyncset.done $0x0  }
0x61: {  	[sflag:s29] =	ssyncadd.s32 $0xFFFFE000  }
0x62: {  	_ =	swait.ge [sflag:s29], $0x2000  }
0x63: {  	[sflag:s29] =	ssyncset.done $0x0  }
0x64: {  	[sflag:s29] =	ssyncadd.s32 $0xFFFFE000  }
0x65: {  	_ =	swait.ge [sflag:s29], $0x2000  }
0x66: {  	[sflag:s29] =	ssyncset.done $0x0  }
0x67: {  	[sflag:s29] =	ssyncadd.s32 $0xFFFFE000  }
0x68: {  	_ =	swait.ge [sflag:s29], $0x2000  }
0x69: {  	[sflag:s29] =	ssyncset.done $0x0  }
0x6a: {  	[sflag:s29] =	ssyncadd.s32 $0xFFFFE000  }
0x6b: {  	[bflag:$0x0] =	sbarrier.arrive $0xFFFF  }
0x6c: {  	_ =	swait.ge [sflag:s30], $0x2000  }
0x6d: {  	[sflag:s30] =	ssyncset.done $0x0  }
0x6e: {  	s19 =	simm.s32 $0x140;
	[sflag:s30] =	ssyncadd.s32 $0xFFFFE000  }
0x6f: {  	[tilespmem:s21], [sflag:$0x4] =	stream.indirect.gather [hbm4b:s1+s23], $0x80, s19, s23, $0xb8;
	[tilespmem:$0x1E800] =	vst v63  }
0x70: {  	s20 =	simm.s32 $0x80  }
0x71: {  	[spmem:s2] =	stream.indirect.scatter.add.f32 [tilespmem:s24], [sflag:$0x5], $0x80, s20, s23, $0xb8;
	[tilespmem:$0x1E800] =	vst v63  }
0x72: {  	_ =	swait.ge [sflag:s3], $0x2000  }
0x73: {  	[sflag:s3] =	ssyncset.done $0x0  }
0x74: {  	[sflag:s3] =	ssyncadd.s32 $0xFFFFE000  }
0x75: {  	_ =	swait.ge [sflag:s4], $0x2000  }
0x76: {  	[sflag:s4] =	ssyncset.done $0x0  }
0x77: {  	[sflag:s4] =	ssyncadd.s32 $0xFFFFE000  }
0x78: {  	[tilespmem:s24], [sflag:$0x1] =	stream.indirect.gather [hbm4b:s1+s23], $0x80, s5, s23, $0xb8;
	[tilespmem:$0x1E800] =	vst v63  }
0x79: {  	_ = 	snop  }
0x7a: {  	[spmem:s2] =	stream.indirect.scatter.add.f32 [tilespmem:s25], [sflag:$0x6], $0x80, s7, s23, $0xb8;
	[tilespmem:$0x1E800] =	vst v63  }
0x7b: {  	_ =	swait.ge [sflag:s8], $0x2000  }
0x7c: {  	[sflag:s8] =	ssyncset.done $0x0  }
0x7d: {  	[sflag:s8] =	ssyncadd.s32 $0xFFFFE000  }
0x7e: {  	_ =	swait.ge [sflag:s9], $0x2000  }
0x7f: {  	[sflag:s9] =	ssyncset.done $0x0  }
0x80: {  	[sflag:s9] =	ssyncadd.s32 $0xFFFFE000  }
0x81: {  	[tilespmem:s25], [sflag:$0x2] =	stream.indirect.gather [hbm4b:s1+s23], $0x80, s10, s23, $0xb8;
	[tilespmem:$0x1E800] =	vst v63  }
0x82: {  	_ = 	snop  }
0x83: {  	[spmem:s2] =	stream.indirect.scatter.add.f32 [tilespmem:s28], [sflag:$0x7], $0x80, s11, s23, $0xb8;
	[tilespmem:$0x1E800] =	vst v63  }
0x84: {  	_ =	swait.ge [sflag:s12], $0x2000  }
0x85: {  	[sflag:s12] =	ssyncset.done $0x0  }
0x86: {  	[sflag:s12] =	ssyncadd.s32 $0xFFFFE000  }
0x87: {  	_ =	swait.ge [sflag:s13], $0x2000  }
0x88: {  	[sflag:s13] =	ssyncset.done $0x0  }
0x89: {  	[sflag:s13] =	ssyncadd.s32 $0xFFFFE000  }
0x8a: {  	[tilespmem:s28], [sflag:$0x3] =	stream.indirect.gather [hbm4b:s1+s23], $0x80, s15, s23, $0xb8;
	[tilespmem:$0x1E800] =	vst v63  }
0x8b: {  	_ = 	snop  }
0x8c: {  	[spmem:s2] =	stream.indirect.scatter.add.f32 [tilespmem:s21], [sflag:$0x8], $0x80, s16, s23, $0xb8;
	[tilespmem:$0x1E800] =	vst v63  }
0x8d: {  	_ =	swait.ge [sflag:s30], $0x2000  }
0x8e: {  	[sflag:s30] =	ssyncset.done $0x0  }
0x8f: {  	[sflag:s30] =	ssyncadd.s32 $0xFFFFE000  }
0x90: {  	_ =	swait.ge [sflag:s17], $0x2000  }
0x91: {  	[sflag:s17] =	ssyncset.done $0x0  }
0x92: {  	s31 =	simm.s32 $0x340;
	[sflag:s17] =	ssyncadd.s32 $0xFFFFE000  }
0x93: {  	[tilespmem:s21], [sflag:$0x4] =	stream.indirect.gather [hbm4b:s1+s23], $0x80, s31, s23, $0xb8;
	[tilespmem:$0x1E800] =	vst v63  }
0x94: {  	s0 =	simm.s32 $0x280  }
0x95: {  	[spmem:s2] =	stream.indirect.scatter.add.f32 [tilespmem:s24], [sflag:$0x5], $0x80, s0, s23, $0xb8;
	[tilespmem:$0x1E800] =	vst v63  }
0x96: {  	_ =	swait.ge [sflag:s3], $0x2000  }
0x97: {  	[sflag:s3] =	ssyncset.done $0x0  }
0x98: {  	[sflag:s3] =	ssyncadd.s32 $0xFFFFE000  }
0x99: {  	_ =	swait.ge [sflag:s4], $0x2000  }
0x9a: {  	[sflag:s4] =	ssyncset.done $0x0  }
0x9b: {  	s20 =	simm.s32 $0x400;
	[sflag:s4] =	ssyncadd.s32 $0xFFFFE000  }
0x9c: {  	[tilespmem:s24], [sflag:$0x1] =	stream.indirect.gather [hbm4b:s1+s23], $0x80, s20, s23, $0xb8;
	[tilespmem:$0x1E800] =	vst v63  }
0x9d: {  	s31 =	simm.s32 $0x2C0  }
0x9e: {  	[spmem:s2] =	stream.indirect.scatter.add.f32 [tilespmem:s25], [sflag:$0x6], $0x80, s31, s23, $0xb8;
	[tilespmem:$0x1E800] =	vst v63  }
0x9f: {  	_ =	swait.ge [sflag:s8], $0x2000  }
0xa0: {  	[sflag:s8] =	ssyncset.done $0x0  }
0xa1: {  	[sflag:s8] =	ssyncadd.s32 $0xFFFFE000  }
0xa2: {  	_ =	swait.ge [sflag:s9], $0x2000  }
0xa3: {  	[sflag:s9] =	ssyncset.done $0x0  }
0xa4: {  	s0 =	simm.s32 $0x440;
	[sflag:s9] =	ssyncadd.s32 $0xFFFFE000  }
0xa5: {  	[tilespmem:s25], [sflag:$0x2] =	stream.indirect.gather [hbm4b:s1+s23], $0x80, s0, s23, $0xb8;
	[tilespmem:$0x1E800] =	vst v63  }
0xa6: {  	s20 =	simm.s32 $0x380  }
0xa7: {  	[spmem:s2] =	stream.indirect.scatter.add.f32 [tilespmem:s28], [sflag:$0x7], $0x80, s20, s23, $0xb8;
	[tilespmem:$0x1E800] =	vst v63  }
0xa8: {  	_ =	swait.ge [sflag:s12], $0x2000  }
0xa9: {  	[sflag:s12] =	ssyncset.done $0x0  }
0xaa: {  	[sflag:s12] =	ssyncadd.s32 $0xFFFFE000  }
0xab: {  	_ =	swait.ge [sflag:s13], $0x2000  }
0xac: {  	s19 =	simm.s32 $0x800;
	[sflag:s13] =	ssyncset.done $0x0  }
0xad: {  	s31 =	simm.s32 $0x500;
	s20 =	simm.s32 $0x3C0;
	[sflag:s13] =	ssyncadd.s32 $0xFFFFE000  }
0xae: {  	[tilespmem:s28], [sflag:$0x3] =	stream.indirect.gather [hbm4b:s1+s23], $0x80, s31, s23, $0xb8;
	[tilespmem:$0x1E800] =	vst v63  }
.LBB2_4:
0xaf: {  	[spmem:s2] =	stream.indirect.scatter.add.f32 [tilespmem:s21], [sflag:$0x8], $0x80, s20, s23, $0xb8;
	[tilespmem:$0x1E800] =	vst v63  }
0xb0: {  	s20 =	smov.u32 s19  }
0xb1: {  	p1 =	sne.s32 s19, $0x8800;
	s19 =	sadd.s32 $0x800, s19;
	_ =	swait.ge [sflag:s30], $0x2000  }
0xb2: {  	[sflag:s30] =	ssyncset.done $0x0  }
0xb3: {  	[sflag:s30] =	ssyncadd.s32 $0xFFFFE000  }
0xb4: {  	_ =	swait.ge [sflag:s17], $0x2000  }
0xb5: {  	s20 =	sshra.s32 s20, $0x2;
	[sflag:s17] =	ssyncset.done $0x0  }
0xb6: {  	s31 =	sadd.s32 $0x340, s20;
	[sflag:s17] =	ssyncadd.s32 $0xFFFFE000  }
0xb7: {  	[tilespmem:s21], [sflag:$0x4] =	stream.indirect.gather [hbm4b:s1+s23], $0x80, s31, s23, $0xb8;
	[tilespmem:$0x1E800] =	vst v63  }
0xb8: {  	s31 =	sadd.s32 $0x280, s20  }
0xb9: {  	[spmem:s2] =	stream.indirect.scatter.add.f32 [tilespmem:s24], [sflag:$0x5], $0x80, s31, s23, $0xb8;
	[tilespmem:$0x1E800] =	vst v63  }
0xba: {  	_ =	swait.ge [sflag:s3], $0x2000  }
0xbb: {  	[sflag:s3] =	ssyncset.done $0x0  }
0xbc: {  	[sflag:s3] =	ssyncadd.s32 $0xFFFFE000  }
0xbd: {  	_ =	swait.ge [sflag:s4], $0x2000  }
0xbe: {  	[sflag:s4] =	ssyncset.done $0x0  }
0xbf: {  	s31 =	sadd.s32 $0x400, s20;
	[sflag:s4] =	ssyncadd.s32 $0xFFFFE000  }
0xc0: {  	[tilespmem:s24], [sflag:$0x1] =	stream.indirect.gather [hbm4b:s1+s23], $0x80, s31, s23, $0xb8;
	[tilespmem:$0x1E800] =	vst v63  }
0xc1: {  	s31 =	sadd.s32 $0x2C0, s20  }
0xc2: {  	[spmem:s2] =	stream.indirect.scatter.add.f32 [tilespmem:s25], [sflag:$0x6], $0x80, s31, s23, $0xb8;
	[tilespmem:$0x1E800] =	vst v63  }
0xc3: {  	_ =	swait.ge [sflag:s8], $0x2000  }
0xc4: {  	[sflag:s8] =	ssyncset.done $0x0  }
0xc5: {  	[sflag:s8] =	ssyncadd.s32 $0xFFFFE000  }
0xc6: {  	_ =	swait.ge [sflag:s9], $0x2000  }
0xc7: {  	[sflag:s9] =	ssyncset.done $0x0  }
0xc8: {  	s31 =	sadd.s32 $0x440, s20;
	[sflag:s9] =	ssyncadd.s32 $0xFFFFE000  }
0xc9: {  	[tilespmem:s25], [sflag:$0x2] =	stream.indirect.gather [hbm4b:s1+s23], $0x80, s31, s23, $0xb8;
	[tilespmem:$0x1E800] =	vst v63  }
0xca: {  	s31 =	sadd.s32 $0x380, s20  }
0xcb: {  	[spmem:s2] =	stream.indirect.scatter.add.f32 [tilespmem:s28], [sflag:$0x7], $0x80, s31, s23, $0xb8;
	[tilespmem:$0x1E800] =	vst v63  }
0xcc: {  	_ =	swait.ge [sflag:s12], $0x2000  }
0xcd: {  	[sflag:s12] =	ssyncset.done $0x0  }
0xce: {  	[sflag:s12] =	ssyncadd.s32 $0xFFFFE000  }
.Ltmp1:
0xcf: {  	_ =	swait.ge [sflag:s13], $0x2000;
	(pc) =	sbr.rel @p1 .LBB2_4-.Ltmp1, $4  }
0xd0: {  	[sflag:s13] =	ssyncset.done $0x0  }
0xd1: {  	s31 =	sadd.s32 $0x500, s20;
	[sflag:s13] =	ssyncadd.s32 $0xFFFFE000  }
0xd2: {  	[tilespmem:s28], [sflag:$0x3] =	stream.indirect.gather [hbm4b:s1+s23], $0x80, s31, s23, $0xb8;
	[tilespmem:$0x1E800] =	vst v63  }
0xd3: {  	s20 =	sadd.s32 $0x3C0, s20  }
0xd4: {  	[spmem:s2] =	stream.indirect.scatter.add.f32 [tilespmem:s21], [sflag:$0x8], $0x80, s20, s23, $0xb8;
	[tilespmem:$0x1E800] =	vst v63  }
0xd5: {  	_ =	swait.ge [sflag:s30], $0x2000  }
0xd6: {  	[sflag:s30] =	ssyncset.done $0x0  }
0xd7: {  	[sflag:s30] =	ssyncadd.s32 $0xFFFFE000  }
0xd8: {  	_ =	swait.ge [sflag:s17], $0x2000  }
0xd9: {  	[sflag:s17] =	ssyncset.done $0x0  }
0xda: {  	s0 =	simm.s32 $0x2740;
	[sflag:s17] =	ssyncadd.s32 $0xFFFFE000  }
0xdb: {  	[tilespmem:s21], [sflag:$0x4] =	stream.indirect.gather [hbm4b:s1+s23], $0x80, s0, s23, $0xb8;
	[tilespmem:$0x1E800] =	vst v63  }
0xdc: {  	s19 =	simm.s32 $0x2680  }
0xdd: {  	[spmem:s2] =	stream.indirect.scatter.add.f32 [tilespmem:s24], [sflag:$0x5], $0x80, s19, s23, $0xb8;
	[tilespmem:$0x1E800] =	vst v63  }
0xde: {  	_ =	swait.ge [sflag:s3], $0x2000  }
0xdf: {  	[sflag:s3] =	ssyncset.done $0x0  }
0xe0: {  	[sflag:s3] =	ssyncadd.s32 $0xFFFFE000  }
0xe1: {  	_ =	swait.ge [sflag:s4], $0x2000  }
0xe2: {  	[sflag:s4] =	ssyncset.done $0x0  }
0xe3: {  	s20 =	simm.s32 $0x26C0;
	[sflag:s4] =	ssyncadd.s32 $0xFFFFE000  }
0xe4: {  	[spmem:s2] =	stream.indirect.scatter.add.f32 [tilespmem:s25], [sflag:$0x6], $0x80, s20, s23, $0xb8;
	[tilespmem:$0x1E800] =	vst v63  }
0xe5: {  	_ =	swait.ge [sflag:s8], $0x2000  }
0xe6: {  	[sflag:s8] =	ssyncset.done $0x0  }
0xe7: {  	[sflag:s8] =	ssyncadd.s32 $0xFFFFE000  }
0xe8: {  	_ =	swait.ge [sflag:s9], $0x2000  }
0xe9: {  	[sflag:s9] =	ssyncset.done $0x0  }
0xea: {  	s31 =	simm.s32 $0x2780;
	[sflag:s9] =	ssyncadd.s32 $0xFFFFE000  }
0xeb: {  	[spmem:s2] =	stream.indirect.scatter.add.f32 [tilespmem:s28], [sflag:$0x7], $0x80, s31, s23, $0xb8;
	[tilespmem:$0x1E800] =	vst v63  }
0xec: {  	_ =	swait.ge [sflag:s12], $0x2000  }
0xed: {  	[sflag:s12] =	ssyncset.done $0x0  }
0xee: {  	[sflag:s12] =	ssyncadd.s32 $0xFFFFE000  }
0xef: {  	_ =	swait.ge [sflag:s13], $0x2000  }
0xf0: {  	[sflag:s13] =	ssyncset.done $0x0  }
0xf1: {  	s19 =	simm.s32 $0x27C0;
	[sflag:s13] =	ssyncadd.s32 $0xFFFFE000  }
0xf2: {  	[spmem:s2] =	stream.indirect.scatter.add.f32 [tilespmem:s21], [sflag:$0x8], $0x80, s19, s23, $0xb8;
	[tilespmem:$0x1E800] =	vst v63  }
0xf3: {  	_ =	swait.ge [sflag:s17], $0x2000  }
0xf4: {  	[sflag:s17] =	ssyncset.done $0x0  }
0xf5: {  	s19 =	simm.s32 $0x0;
	s20 =	rddreg [dreg:$0xf];
	[sflag:s17] =	ssyncadd.s32 $0xFFFFE000  }
0xf6: {  	[tilespmem:s19], [sflag:$0xB] =	stream.linear.gather [hbm4b:s20+s19], $0x2600, $0x38;
	[tilespmem:$0x1E800] =	vst v63  }
0xf7: {  	_ =	swait.ge [sflag:s18], $0x2600  }
0xf8: {  	[sflag:s18] =	ssyncset.done $0x0  }
0xf9: {  	[sflag:s18] =	ssyncadd.s32 $0xFFFFDA00  }
0xfa: {  	[tilespmem:s24], [sflag:$0x1] =	stream.indirect.gather [hbm4b:s1+s23], $0x80, s19, s23, $0xb8;
	[tilespmem:$0x1E800] =	vst v63  }
0xfb: {  	_ = 	snop  }
0xfc: {  	[tilespmem:s25], [sflag:$0x2] =	stream.indirect.gather [hbm4b:s1+s23], $0x80, s23, s23, $0xb8;
	[tilespmem:$0x1E800] =	vst v63  }
0xfd: {  	s31 =	simm.s32 $0x100  }
0xfe: {  	[tilespmem:s28], [sflag:$0x3] =	stream.indirect.gather [hbm4b:s1+s23], $0x80, s31, s23, $0xb8;
	[tilespmem:$0x1E800] =	vst v63  }
0xff: {  	_ =	swait.ge [sflag:s30], $0x2000  }
0x100: {  	[sflag:s30] =	ssyncset.done $0x0  }
0x101: {  	s19 =	simm.s32 $0x140;
	[sflag:s30] =	ssyncadd.s32 $0xFFFFE000  }
0x102: {  	[tilespmem:s21], [sflag:$0x4] =	stream.indirect.gather [hbm4b:s1+s23], $0x80, s19, s23, $0xb8;
	[tilespmem:$0x1E800] =	vst v63  }
0x103: {  	s20 =	simm.s32 $0x80  }
0x104: {  	[spmem:s2] =	stream.indirect.scatter.add.f32 [tilespmem:s24], [sflag:$0x5], $0x80, s20, s23, $0xb8;
	[tilespmem:$0x1E800] =	vst v63  }
0x105: {  	_ =	swait.ge [sflag:s3], $0x2000  }
0x106: {  	[sflag:s3] =	ssyncset.done $0x0  }
0x107: {  	[sflag:s3] =	ssyncadd.s32 $0xFFFFE000  }
0x108: {  	_ =	swait.ge [sflag:s4], $0x2000  }
0x109: {  	[sflag:s4] =	ssyncset.done $0x0  }
0x10a: {  	[sflag:s4] =	ssyncadd.s32 $0xFFFFE000  }
0x10b: {  	[tilespmem:s24], [sflag:$0x1] =	stream.indirect.gather [hbm4b:s1+s23], $0x80, s5, s23, $0xb8;
	[tilespmem:$0x1E800] =	vst v63  }
0x10c: {  	_ = 	snop  }
0x10d: {  	[spmem:s2] =	stream.indirect.scatter.add.f32 [tilespmem:s25], [sflag:$0x6], $0x80, s7, s23, $0xb8;
	[tilespmem:$0x1E800] =	vst v63  }
0x10e: {  	_ =	swait.ge [sflag:s8], $0x2000  }
0x10f: {  	[sflag:s8] =	ssyncset.done $0x0  }
0x110: {  	[sflag:s8] =	ssyncadd.s32 $0xFFFFE000  }
0x111: {  	_ =	swait.ge [sflag:s9], $0x2000  }
0x112: {  	[sflag:s9] =	ssyncset.done $0x0  }
0x113: {  	[sflag:s9] =	ssyncadd.s32 $0xFFFFE000  }
0x114: {  	[tilespmem:s25], [sflag:$0x2] =	stream.indirect.gather [hbm4b:s1+s23], $0x80, s10, s23, $0xb8;
	[tilespmem:$0x1E800] =	vst v63  }
0x115: {  	_ = 	snop  }
0x116: {  	[spmem:s2] =	stream.indirect.scatter.add.f32 [tilespmem:s28], [sflag:$0x7], $0x80, s11, s23, $0xb8;
	[tilespmem:$0x1E800] =	vst v63  }
0x117: {  	_ =	swait.ge [sflag:s12], $0x2000  }
0x118: {  	[sflag:s12] =	ssyncset.done $0x0  }
0x119: {  	[sflag:s12] =	ssyncadd.s32 $0xFFFFE000  }
0x11a: {  	_ =	swait.ge [sflag:s13], $0x2000  }
0x11b: {  	[sflag:s13] =	ssyncset.done $0x0  }
0x11c: {  	[sflag:s13] =	ssyncadd.s32 $0xFFFFE000  }
0x11d: {  	[tilespmem:s28], [sflag:$0x3] =	stream.indirect.gather [hbm4b:s1+s23], $0x80, s15, s23, $0xb8;
	[tilespmem:$0x1E800] =	vst v63  }
0x11e: {  	_ = 	snop  }
0x11f: {  	[spmem:s2] =	stream.indirect.scatter.add.f32 [tilespmem:s21], [sflag:$0x8], $0x80, s16, s23, $0xb8;
	[tilespmem:$0x1E800] =	vst v63  }
0x120: {  	_ =	swait.ge [sflag:s30], $0x2000  }
0x121: {  	[sflag:s30] =	ssyncset.done $0x0  }
0x122: {  	[sflag:s30] =	ssyncadd.s32 $0xFFFFE000  }
0x123: {  	_ =	swait.ge [sflag:s17], $0x2000  }
0x124: {  	[sflag:s17] =	ssyncset.done $0x0  }
0x125: {  	s31 =	simm.s32 $0x340;
	[sflag:s17] =	ssyncadd.s32 $0xFFFFE000  }
0x126: {  	[tilespmem:s21], [sflag:$0x4] =	stream.indirect.gather [hbm4b:s1+s23], $0x80, s31, s23, $0xb8;
	[tilespmem:$0x1E800] =	vst v63  }
0x127: {  	s0 =	simm.s32 $0x280  }
0x128: {  	[spmem:s2] =	stream.indirect.scatter.add.f32 [tilespmem:s24], [sflag:$0x5], $0x80, s0, s23, $0xb8;
	[tilespmem:$0x1E800] =	vst v63  }
0x129: {  	_ =	swait.ge [sflag:s3], $0x2000  }
0x12a: {  	[sflag:s3] =	ssyncset.done $0x0  }
0x12b: {  	[sflag:s3] =	ssyncadd.s32 $0xFFFFE000  }
0x12c: {  	_ =	swait.ge [sflag:s4], $0x2000  }
0x12d: {  	[sflag:s4] =	ssyncset.done $0x0  }
0x12e: {  	s20 =	simm.s32 $0x400;
	[sflag:s4] =	ssyncadd.s32 $0xFFFFE000  }
0x12f: {  	[tilespmem:s24], [sflag:$0x1] =	stream.indirect.gather [hbm4b:s1+s23], $0x80, s20, s23, $0xb8;
	[tilespmem:$0x1E800] =	vst v63  }
0x130: {  	s31 =	simm.s32 $0x2C0  }
0x131: {  	[spmem:s2] =	stream.indirect.scatter.add.f32 [tilespmem:s25], [sflag:$0x6], $0x80, s31, s23, $0xb8;
	[tilespmem:$0x1E800] =	vst v63  }
0x132: {  	_ =	swait.ge [sflag:s8], $0x2000  }
0x133: {  	[sflag:s8] =	ssyncset.done $0x0  }
0x134: {  	[sflag:s8] =	ssyncadd.s32 $0xFFFFE000  }
0x135: {  	_ =	swait.ge [sflag:s9], $0x2000  }
0x136: {  	[sflag:s9] =	ssyncset.done $0x0  }
0x137: {  	s0 =	simm.s32 $0x440;
	[sflag:s9] =	ssyncadd.s32 $0xFFFFE000  }
0x138: {  	[tilespmem:s25], [sflag:$0x2] =	stream.indirect.gather [hbm4b:s1+s23], $0x80, s0, s23, $0xb8;
	[tilespmem:$0x1E800] =	vst v63  }
0x139: {  	s20 =	simm.s32 $0x380  }
0x13a: {  	[spmem:s2] =	stream.indirect.scatter.add.f32 [tilespmem:s28], [sflag:$0x7], $0x80, s20, s23, $0xb8;
	[tilespmem:$0x1E800] =	vst v63  }
0x13b: {  	_ =	swait.ge [sflag:s12], $0x2000  }
0x13c: {  	[sflag:s12] =	ssyncset.done $0x0  }
0x13d: {  	[sflag:s12] =	ssyncadd.s32 $0xFFFFE000  }
0x13e: {  	_ =	swait.ge [sflag:s13], $0x2000  }
0x13f: {  	s19 =	simm.s32 $0x800;
	[sflag:s13] =	ssyncset.done $0x0  }
0x140: {  	s31 =	simm.s32 $0x500;
	s20 =	simm.s32 $0x3C0;
	[sflag:s13] =	ssyncadd.s32 $0xFFFFE000  }
0x141: {  	[tilespmem:s28], [sflag:$0x3] =	stream.indirect.gather [hbm4b:s1+s23], $0x80, s31, s23, $0xb8;
	[tilespmem:$0x1E800] =	vst v63  }
.LBB2_6:
0x142: {  	[spmem:s2] =	stream.indirect.scatter.add.f32 [tilespmem:s21], [sflag:$0x8], $0x80, s20, s23, $0xb8;
	[tilespmem:$0x1E800] =	vst v63  }
0x143: {  	s20 =	smov.u32 s19  }
0x144: {  	p1 =	sne.s32 s19, $0x8000;
	s19 =	sadd.s32 $0x800, s19;
	_ =	swait.ge [sflag:s30], $0x2000  }
0x145: {  	[sflag:s30] =	ssyncset.done $0x0  }
0x146: {  	[sflag:s30] =	ssyncadd.s32 $0xFFFFE000  }
0x147: {  	_ =	swait.ge [sflag:s17], $0x2000  }
0x148: {  	s20 =	sshra.s32 s20, $0x2;
	[sflag:s17] =	ssyncset.done $0x0  }
0x149: {  	s31 =	sadd.s32 $0x340, s20;
	[sflag:s17] =	ssyncadd.s32 $0xFFFFE000  }
0x14a: {  	[tilespmem:s21], [sflag:$0x4] =	stream.indirect.gather [hbm4b:s1+s23], $0x80, s31, s23, $0xb8;
	[tilespmem:$0x1E800] =	vst v63  }
0x14b: {  	s31 =	sadd.s32 $0x280, s20  }
0x14c: {  	[spmem:s2] =	stream.indirect.scatter.add.f32 [tilespmem:s24], [sflag:$0x5], $0x80, s31, s23, $0xb8;
	[tilespmem:$0x1E800] =	vst v63  }
0x14d: {  	_ =	swait.ge [sflag:s3], $0x2000  }
0x14e: {  	[sflag:s3] =	ssyncset.done $0x0  }
0x14f: {  	[sflag:s3] =	ssyncadd.s32 $0xFFFFE000  }
0x150: {  	_ =	swait.ge [sflag:s4], $0x2000  }
0x151: {  	[sflag:s4] =	ssyncset.done $0x0  }
0x152: {  	s31 =	sadd.s32 $0x400, s20;
	[sflag:s4] =	ssyncadd.s32 $0xFFFFE000  }
0x153: {  	[tilespmem:s24], [sflag:$0x1] =	stream.indirect.gather [hbm4b:s1+s23], $0x80, s31, s23, $0xb8;
	[tilespmem:$0x1E800] =	vst v63  }
0x154: {  	s31 =	sadd.s32 $0x2C0, s20  }
0x155: {  	[spmem:s2] =	stream.indirect.scatter.add.f32 [tilespmem:s25], [sflag:$0x6], $0x80, s31, s23, $0xb8;
	[tilespmem:$0x1E800] =	vst v63  }
0x156: {  	_ =	swait.ge [sflag:s8], $0x2000  }
0x157: {  	[sflag:s8] =	ssyncset.done $0x0  }
0x158: {  	[sflag:s8] =	ssyncadd.s32 $0xFFFFE000  }
0x159: {  	_ =	swait.ge [sflag:s9], $0x2000  }
0x15a: {  	[sflag:s9] =	ssyncset.done $0x0  }
0x15b: {  	s31 =	sadd.s32 $0x440, s20;
	[sflag:s9] =	ssyncadd.s32 $0xFFFFE000  }
0x15c: {  	[tilespmem:s25], [sflag:$0x2] =	stream.indirect.gather [hbm4b:s1+s23], $0x80, s31, s23, $0xb8;
	[tilespmem:$0x1E800] =	vst v63  }
0x15d: {  	s31 =	sadd.s32 $0x380, s20  }
0x15e: {  	[spmem:s2] =	stream.indirect.scatter.add.f32 [tilespmem:s28], [sflag:$0x7], $0x80, s31, s23, $0xb8;
	[tilespmem:$0x1E800] =	vst v63  }
0x15f: {  	_ =	swait.ge [sflag:s12], $0x2000  }
0x160: {  	[sflag:s12] =	ssyncset.done $0x0  }
0x161: {  	[sflag:s12] =	ssyncadd.s32 $0xFFFFE000  }
.Ltmp2:
0x162: {  	_ =	swait.ge [sflag:s13], $0x2000;
	(pc) =	sbr.rel @p1 .LBB2_6-.Ltmp2, $4  }
0x163: {  	[sflag:s13] =	ssyncset.done $0x0  }
0x164: {  	s31 =	sadd.s32 $0x500, s20;
	[sflag:s13] =	ssyncadd.s32 $0xFFFFE000  }
0x165: {  	[tilespmem:s28], [sflag:$0x3] =	stream.indirect.gather [hbm4b:s1+s23], $0x80, s31, s23, $0xb8;
	[tilespmem:$0x1E800] =	vst v63  }
0x166: {  	s20 =	sadd.s32 $0x3C0, s20  }
0x167: {  	[spmem:s2] =	stream.indirect.scatter.add.f32 [tilespmem:s21], [sflag:$0x8], $0x80, s20, s23, $0xb8;
	[tilespmem:$0x1E800] =	vst v63  }
0x168: {  	_ =	swait.ge [sflag:s30], $0x2000  }
0x169: {  	[sflag:s30] =	ssyncset.done $0x0  }
0x16a: {  	[sflag:s30] =	ssyncadd.s32 $0xFFFFE000  }
0x16b: {  	_ =	swait.ge [sflag:s17], $0x2000  }
0x16c: {  	[sflag:s17] =	ssyncset.done $0x0  }
0x16d: {  	s0 =	simm.s32 $0x2540;
	[sflag:s17] =	ssyncadd.s32 $0xFFFFE000  }
0x16e: {  	[tilespmem:s21], [sflag:$0x4] =	stream.indirect.gather [hbm4b:s1+s23], $0x80, s0, s23, $0xb8;
	[tilespmem:$0x1E800] =	vst v63  }
0x16f: {  	s31 =	simm.s32 $0x2480  }
0x170: {  	[spmem:s2] =	stream.indirect.scatter.add.f32 [tilespmem:s24], [sflag:$0x5], $0x80, s31, s23, $0xb8;
	[tilespmem:$0x1E800] =	vst v63  }
0x171: {  	_ =	swait.ge [sflag:s3], $0x2000  }
0x172: {  	[sflag:s3] =	ssyncset.done $0x0  }
0x173: {  	[sflag:s3] =	ssyncadd.s32 $0xFFFFE000  }
0x174: {  	_ =	swait.ge [sflag:s4], $0x2000  }
0x175: {  	[sflag:s4] =	ssyncset.done $0x0  }
0x176: {  	s19 =	simm.s32 $0x24C0;
	[sflag:s4] =	ssyncadd.s32 $0xFFFFE000  }
0x177: {  	[spmem:s2] =	stream.indirect.scatter.add.f32 [tilespmem:s25], [sflag:$0x6], $0x80, s19, s23, $0xb8;
	[tilespmem:$0x1E800] =	vst v63  }
0x178: {  	_ =	swait.ge [sflag:s8], $0x2000  }
0x179: {  	[sflag:s8] =	ssyncset.done $0x0  }
0x17a: {  	[sflag:s8] =	ssyncadd.s32 $0xFFFFE000  }
0x17b: {  	_ =	swait.ge [sflag:s9], $0x2000  }
0x17c: {  	[sflag:s9] =	ssyncset.done $0x0  }
0x17d: {  	s20 =	simm.s32 $0x2580;
	[sflag:s9] =	ssyncadd.s32 $0xFFFFE000  }
0x17e: {  	[spmem:s2] =	stream.indirect.scatter.add.f32 [tilespmem:s28], [sflag:$0x7], $0x80, s20, s23, $0xb8;
	[tilespmem:$0x1E800] =	vst v63  }
0x17f: {  	_ =	swait.ge [sflag:s12], $0x2000  }
0x180: {  	[sflag:s12] =	ssyncset.done $0x0  }
0x181: {  	[sflag:s12] =	ssyncadd.s32 $0xFFFFE000  }
0x182: {  	_ =	swait.ge [sflag:s13], $0x2000  }
0x183: {  	[sflag:s13] =	ssyncset.done $0x0  }
0x184: {  	s31 =	simm.s32 $0x25C0;
	[sflag:s13] =	ssyncadd.s32 $0xFFFFE000  }
0x185: {  	[spmem:s2] =	stream.indirect.scatter.add.f32 [tilespmem:s21], [sflag:$0x8], $0x80, s31, s23, $0xb8;
	[tilespmem:$0x1E800] =	vst v63  }
0x186: {  	_ =	swait.ge [sflag:s17], $0x2000  }
0x187: {  	s19 =	simm.s32 @!p0 $0x0;
	[sflag:s17] =	ssyncset.done $0x0  }
0x188: {  	s20 =	simm.s32 @!p0 $0xB;
	s0 =	rddreg [dreg:$0x10];
	[sflag:s17] =	ssyncadd.s32 $0xFFFFE000  }
0x189: {  	[tilespmem:s19], [sflag:$0xB] =	stream.linear.gather @!p0 [hbm4b:s0+s19], $0x100, $0x38;
	[tilespmem:$0x1E800] =	vst v63  }
0x18a: {  	_ =	swait.ge @!p0 [sflag:s20], $0x100  }
0x18b: {  	[sflag:s20] =	ssyncset.done @!p0 $0x0  }
0x18c: {  	s31 =	simm.s32 @!p0 $0x2800;
	[sflag:s20] =	ssyncadd.s32 @!p0 $0xFFFFFF00;
	s20 =	simm.s32 @!p0 $0x40  }
0x18d: {  	[tilespmem:s31], [sflag:$0x1] =	stream.indirect.gather @!p0 [hbm4b:s1+s20], $0x80, s19, s20, $0xb8;
	[tilespmem:$0x1E800] =	vst v63  }
0x18e: {  	s0 =	simm.s32 @!p0 $0x1;
	s19 =	simm.s32 @!p0 $0x4800  }
0x18f: {  	[tilespmem:s19], [sflag:$0x2] =	stream.indirect.gather @!p0 [hbm4b:s1+s20], $0x80, s20, s20, $0xb8;
	[tilespmem:$0x1E800] =	vst v63  }
0x190: {  	_ =	swait.ge @!p0 [sflag:s0], $0x2000  }
0x191: {  	[sflag:s0] =	ssyncset.done @!p0 $0x0  }
0x192: {  	[sflag:s0] =	ssyncadd.s32 @!p0 $0xFFFFE000;
	s0 =	simm.s32 @!p0 $0x80  }
0x193: {  	[spmem:s2] =	stream.indirect.scatter.add.f32 @!p0 [tilespmem:s31], [sflag:$0x5], $0x80, s0, s20, $0xb8;
	[tilespmem:$0x1E800] =	vst v63  }
0x194: {  	s0 =	simm.s32 @!p0 $0x2  }
0x195: {  	_ =	swait.ge @!p0 [sflag:s0], $0x2000  }
0x196: {  	[sflag:s0] =	ssyncset.done @!p0 $0x0  }
0x197: {  	[sflag:s0] =	ssyncadd.s32 @!p0 $0xFFFFE000;
	s0 =	simm.s32 @!p0 $0xC0  }
0x198: {  	[spmem:s2] =	stream.indirect.scatter.add.f32 @!p0 [tilespmem:s19], [sflag:$0x6], $0x80, s0, s20, $0xb8;
	[tilespmem:$0x1E800] =	vst v63  }
0x199: {  	s0 =	simm.s32 @!p0 $0x5  }
0x19a: {  	_ =	swait.ge @!p0 [sflag:s0], $0x2000  }
0x19b: {  	[sflag:s0] =	ssyncset.done @!p0 $0x0  }
0x19c: {  	[sflag:s0] =	ssyncadd.s32 @!p0 $0xFFFFE000;
	s0 =	simm.s32 @!p0 $0x6  }
0x19d: {  	_ =	swait.ge @!p0 [sflag:s0], $0x2000  }
0x19e: {  	[sflag:s0] =	ssyncset.done @!p0 $0x0  }
0x19f: {  	[sflag:s0] =	ssyncadd.s32 @!p0 $0xFFFFE000  }
0x1a0: {  	[bflag:$0x0] =	sbarrier.arrive $0xFFFF  }
0x1a1: {  	s19 =	sor.u32 $0x1C0B, s14;
	s20 =	sshrl.u32 s6, $0x3;
	s31 =	rddreg [dreg:$0x11]  }
0x1a2: {  	[hbm:s31], [sflag:s19] =	dma.local [spmem:s20], $0x2800  }
0x1a3: {  	_ =	swait.ge [sflag:s18], $0x2800  }
0x1a4: {  	s26 =	sadd.s32 $0x1, s26;
	s31 =	rddreg [dreg:$0x12]  }
0x1a5: {  	p1 =	sne.s32 s26, s31  }
.Ltmp3:
0x1a6: {  	_ = 	snop;
	(pc) =	sbr.rel @p1 .LBB2_1-.Ltmp3, $3  }
0x1a7: {  	_ =	sdelay $0x1  }
0x1a8: {  	[sflag:s18] =	ssyncset.done $0x0  }
0x1a9: {  	[sflag:s18] =	ssyncadd.s32 $0xFFFFD800  }
0x1aa: {  	_ =	sfence.sel $0x180000  }
0x1ab: {  	[bflag:$0x0] =	sbarrier.arrive $0xFFFF  }
0x1ac: {  	_ =	strace $0x90000047  }
0x1ad: {  	s0 =	stileid.u32;
	[bflag:$0x2] =	sbarrier.arrive $0xFFFF  }
0x1ae: {  	p0 =	sne.s32 s0, $0x0;
	s0 =	rddreg [dreg:$0x4]  }
0x1af: {  	s0 =	sadd.s32 @!p0 $0x100000, s0  }
0x1b0: {  	[sflag:s0] =	ssyncadd.tile.s32 @!p0 $0x1;
	_ =	shalt  }
.Lfunc_end2:
_tile_overlayer_lowered:
.L_overlay_start_2:
0x1b1: {  	(tag) =	ssettag $0x2  }
0x1b2: {  	s0 =	rddreg [dreg:$0x0];
	s2 =	stileid.u32  }
0x1b3: {  	s1 =	rddreg [dreg:$0x1];
	p0 =	sne.s32 s2, $0x0  }
0x1b4: {  	s3 =	rddreg [dreg:$0x2];
	[bflag:$0x3] =	sbarrier.arrive $0xFFFF;
	s2 =	simm.s32 @!p0 $0x1C0B  }
0x1b5: {  	[timem:s3], [sflag:s2] =	dma.local @!p0 [hbm:s0], s1  }
0x1b6: {  	s0 =	simm.s32 @!p0 $0xB  }
0x1b7: {  	_ =	swait.ge @!p0 [sflag:s0], s1  }
0x1b8: {  	s1 =	ssub.s32 @!p0 $0x0, s1;
	[sflag:s0] =	ssyncset.done @!p0 $0x0  }
0x1b9: {  	[sflag:s0] =	ssyncadd.s32 @!p0 s1  }
0x1ba: {  	[bflag:$0x3] =	sbarrier.arrive $0xFFFF  }
0x1bb: {  	_ =	shalt  }

</sc_bundles>
